<compile_context>
chip_gen: v7x
topology: tpu7x:2x2x1
jax: 0.10.2.dev20260603
libtpu: 0.0.44.dev20260713+nightly
codegen_flags: <defaults>
</compile_context>

<pallas_src>
import functools

import jax
import jax.numpy as jnp
from jax import lax
from jax.experimental import pallas as pl
from jax.experimental.pallas import tpu as pltpu
from jax.experimental.pallas import tpu_sc as plsc

_TOKENS = 32768
_HIDDEN = 4096
_EXPERTS = 64
_TOPK = 8

_TC_BLK = 512
_CHUNK_SIZES = (10752, 10752, 10240, 1024)

_NCORES = 2
_NSUB = 16
_NW = _NCORES * _NSUB


def _router_scores_body(x_ref, w_ref, out_ref):
    logits = lax.dot_general(
        x_ref[...], w_ref[...],
        dimension_numbers=(((1,), (1,)), ((), ())),
        preferred_element_type=jnp.float32,
    )
    m = jnp.max(logits, axis=-1, keepdims=True)
    e = jnp.exp(logits - m)
    scores = e / jnp.sum(e, axis=-1, keepdims=True)
    out_ref[...] = scores


def _router_scores(x, W, base_tokens, chunk_tokens):
    base = base_tokens // _TC_BLK
    grid = (chunk_tokens // _TC_BLK,)
    return pl.pallas_call(
        _router_scores_body,
        grid=grid,
        in_specs=[
            pl.BlockSpec((_TC_BLK, _HIDDEN), lambda i: (base + i, 0)),
            pl.BlockSpec((_EXPERTS, _HIDDEN), lambda i: (0, 0)),
        ],
        out_specs=pl.BlockSpec((_TC_BLK, _EXPERTS), lambda i: (i, 0)),
        out_shape=jax.ShapeDtypeStruct((chunk_tokens, _EXPERTS), jnp.float32),
        compiler_params=pltpu.CompilerParams(
            dimension_semantics=("parallel",),
        ),
    )(x, W)


def _topk_sc(scores_flat, chunk_tokens):
    rows_w = chunk_tokens // _NW
    scores_w = rows_w * _EXPERTS
    out_w = rows_w * _TOPK
    mesh = plsc.VectorSubcoreMesh(core_axis_name="c", subcore_axis_name="s")

    @functools.partial(
        pl.kernel,
        mesh=mesh,
        out_type=[
            jax.ShapeDtypeStruct((chunk_tokens * _TOPK,), jnp.float32),
            jax.ShapeDtypeStruct((chunk_tokens * _TOPK,), jnp.int32),
        ],
        scratch_types=[
            pltpu.VMEM((scores_w,), jnp.float32),
            pltpu.VMEM((out_w + 16,), jnp.float32),
            pltpu.VMEM((out_w + 16,), jnp.int32),
        ],
        compiler_params=pltpu.CompilerParams(needs_layout_passes=False),
    )
    def topk_kernel(scores_hbm, w_hbm, i_hbm, s_v, w_v, i_v):
        wid = lax.axis_index("s") * _NCORES + lax.axis_index("c")
        pltpu.sync_copy(scores_hbm.at[pl.ds(wid * scores_w, scores_w)], s_v)

        lane = lax.iota(jnp.int32, 16)
        m8 = lane < 8
        zero16 = jnp.zeros((16,), jnp.float32)

        def merge(kA, vA, kB, vB):
            k = jnp.where(m8, kA, lax.rev(kB, (0,)))
            v = jnp.where(m8, vA, lax.rev(vB, (0,)))
            return plsc.sort_key_val(k, v, descending=True)

        def row_body(r, carry):
            ks, vs = [], []
            for c in range(4):
                s = s_v[pl.ds(r * _EXPERTS + c * 16, 16)]
                sk, sv = plsc.sort_key_val(s, lane + c * 16, descending=True)
                ks.append(sk)
                vs.append(sv)
            ka, va = merge(ks[0], vs[0], ks[1], vs[1])
            kb, vb = merge(ks[2], vs[2], ks[3], vs[3])
            kc, vc = merge(ka, va, kb, vb)
            ssum = jnp.sum(jnp.where(m8, kc, zero16))
            wf = kc / ssum
            plsc.store_compressed(w_v.at[pl.ds(r * _TOPK, 16)], wf, mask=m8)
            plsc.store_compressed(i_v.at[pl.ds(r * _TOPK, 16)], vc, mask=m8)
            return carry

        lax.fori_loop(0, rows_w, row_body, 0)

        pltpu.sync_copy(w_v.at[pl.ds(0, out_w)],
                        w_hbm.at[pl.ds(wid * out_w, out_w)])
        pltpu.sync_copy(i_v.at[pl.ds(0, out_w)],
                        i_hbm.at[pl.ds(wid * out_w, out_w)])

    return topk_kernel(scores_flat)


def kernel(x, W):
    x2 = x.reshape(-1, x.shape[-1])
    scores_parts, w_parts, i_parts = [], [], []
    base = 0
    for chunk_tokens in _CHUNK_SIZES:
        sc = _router_scores(x2, W, base, chunk_tokens)
        scores_parts.append(sc)
        w_flat, i_flat = _topk_sc(sc.reshape(-1), chunk_tokens)
        w_parts.append(w_flat.reshape(chunk_tokens, _TOPK))
        i_parts.append(i_flat.reshape(chunk_tokens, _TOPK))
        base += chunk_tokens
    scores = jnp.concatenate(scores_parts, axis=0)
    expert_weights = jnp.concatenate(w_parts, axis=0)
    expert_indices = jnp.concatenate(i_parts, axis=0)
    return (scores, expert_weights, expert_indices)

# --- scband reference (transcript-rebuilt; emitter-appended) ---
"""Pipeline reference for scband-learned-router-9019431321969 (READ-ONLY COPY).

The authoritative reference and input builder live on the scoring server;
editing this copy changes nothing except your own understanding.
"""

import jax, jax.numpy as jnp
import numpy as np

TOKENS = 32768
HIDDEN = 4096
NUM_EXPERTS = 64
TOP_K = 8

def setup_inputs(seed: int = 0) -> dict:
    key = jax.random.key(seed)
    k1, k2 = jax.random.split(key)
    x = jax.random.normal(k1, (TOKENS, HIDDEN), dtype=jnp.float32)
    # router linear weight, shape [num_experts, hidden_size], no bias
    W = jax.random.normal(k2, (NUM_EXPERTS, HIDDEN), dtype=jnp.float32) * 0.02
    return {"x": x, "W": W}

def reference(x, W):
    # eval mode: no jitter (moe_jitter_eps is None); zloss weight 0 so no logit saving
    x2 = x.reshape(-1, x.shape[-1])
    logits = x2 @ W.T
    scores = jax.nn.softmax(logits, axis=-1)
    # top_k > 1 path
    expert_weights, expert_indices = jax.lax.top_k(scores, TOP_K)
    # moe_normalize_expert_weights = 1 -> p=1 norm along last dim
    norm = jnp.sum(jnp.abs(expert_weights), axis=-1, keepdims=True)
    expert_weights = expert_weights / norm
    # uniform_expert_assignment = False -> keep indices as-is
    return (scores, expert_weights, expert_indices)

if __name__ == "__main__":
    import jax
    _d = setup_inputs()
    print(jax.jit(kernel)(*tuple(_d.values())))

</pallas_src>

<mosaic_0001>
#map = affine_map<(d0, d1) -> (0)>
module attributes {stable_mosaic.version = 14 : i64} {
  func.func @topk_kernel(%arg0: i32, %arg1: i32, %arg2: memref<65536xf32, #tpu.memory_space<hbm>>, %arg3: memref<8192xf32, #tpu.memory_space<hbm>>, %arg4: memref<8192xi32, #tpu.memory_space<hbm>>, %arg5: memref<2048xf32, #tpu.memory_space<vmem>>, %arg6: memref<272xf32, #tpu.memory_space<vmem>>, %arg7: memref<272xi32, #tpu.memory_space<vmem>>) attributes {dimension_semantics = [#tpu.dimension_semantics<core_parallel>, #tpu.dimension_semantics<subcore_parallel>], iteration_bounds = array<i64: 2, 16>, scalar_prefetch = 0 : i64, scratch_operands = 3 : i64, tpu.core_type = #tpu.core_type<sc_vector_subcore>, window_params = [{transform_indices = #map}, {transform_indices = #map}, {transform_indices = #map}]} {
    %mul3A = arith.constant 2 : i32
    %mul3A_0 = arith.muli %arg1, %mul3A : i32
    %add3A = arith.addi %mul3A_0, %arg0 : i32
    %mul3A_1 = arith.constant 2048 : i32
    %mul3A_2 = arith.muli %add3A, %mul3A_1 : i32
    "tpu.region"() ({
      %run_scoped3A = tpu.sem_alloc : memref<!tpu.dma_semaphore, #tpu.memory_space<semaphore_mem>>
      %dma_start3A = tpu.memref_slice %arg2[%mul3A_2] : memref<65536xf32, #tpu.memory_space<hbm>> -> memref<2048xf32, #tpu.memory_space<hbm>>
      %dma_start3A_15 = tpu.memref_slice %arg2[%mul3A_2] : memref<65536xf32, #tpu.memory_space<hbm>> -> memref<2048xf32, #tpu.memory_space<hbm>>
      tpu.enqueue_dma source(%dma_start3A_15 : memref<2048xf32, #tpu.memory_space<hbm>>) target(%arg5 : memref<2048xf32, #tpu.memory_space<vmem>>) target_semaphore(%run_scoped3A : memref<!tpu.dma_semaphore, #tpu.memory_space<semaphore_mem>>)
      %dma_wait3A = tpu.memref_slice %arg2[%mul3A_2] : memref<65536xf32, #tpu.memory_space<hbm>> -> memref<2048xf32, #tpu.memory_space<hbm>>
      %dma_wait3A_16 = tpu.memref_slice %arg2[%mul3A_2] : memref<65536xf32, #tpu.memory_space<hbm>> -> memref<2048xf32, #tpu.memory_space<hbm>>
      tpu.wait_dma2 semaphore(%run_scoped3A : memref<!tpu.dma_semaphore, #tpu.memory_space<semaphore_mem>>) src(%dma_wait3A_16 : memref<2048xf32, #tpu.memory_space<hbm>>) dst(%arg5 : memref<2048xf32, #tpu.memory_space<vmem>>)
      tpu.yield
    }) : () -> ()
    %iota3A = tpu.iota {dimensions = array<i32: 0>} : vector<16xi32>
    %lt3A = arith.constant 8 : i32
    %lt3A_3 = vector.broadcast %lt3A : i32 to vector<16xi32>
    %lt3A_4 = arith.cmpi slt, %iota3A, %lt3A_3 : vector<16xi32>
    %broadcast_in_dim3A = arith.constant 0.000000e+00 : f32
    %broadcast_in_dim3A_5 = vector.broadcast %broadcast_in_dim3A : f32 to vector<16xf32>
    %scan3A = arith.constant 0 : i32
    %scan3A_6 = arith.constant 0 : i32
    %scan3A_7 = arith.constant 32 : i32
    %scan3A_8 = arith.addi %scan3A_6, %scan3A_7 : i32
    %scan3A_9 = arith.constant 1 : i32
    scf.for %scan3A_15 = %scan3A_6 to %scan3A_8 step %scan3A_9  : i32 {
      %mul3A_16 = arith.constant 64 : i32
      %mul3A_17 = arith.muli %scan3A_15, %mul3A_16 : i32
      %add3A_18 = arith.constant 0 : i32
      %add3A_19 = arith.addi %mul3A_17, %add3A_18 : i32
      %get3A = arith.index_cast %add3A_19 : i32 to index
      %get3A_20 = tpu.vector_load %arg5[%get3A] {strides = array<i32>} : memref<2048xf32, #tpu.memory_space<vmem>>, vector<16xf32>,
      %add3A_21 = arith.constant 0 : i32
      %add3A_22 = vector.broadcast %add3A_21 : i32 to vector<16xi32>
      %add3A_23 = arith.addi %iota3A, %add3A_22 : vector<16xi32>
      %masked_sort3A = arith.constant dense<true> : vector<16xi1>
      %masked_sort3A_24, %masked_sort3A_25, %masked_sort3A_26 = tpu.sort %get3A_20, %add3A_23 masked %masked_sort3A {descending = true} : (vector<16xf32>, vector<16xi32>, vector<16xi1>) -> (vector<16xi1>, vector<16xf32>, vector<16xi32>)
      %mul3A_27 = arith.constant 64 : i32
      %mul3A_28 = arith.muli %scan3A_15, %mul3A_27 : i32
      %add3A_29 = arith.constant 16 : i32
      %add3A_30 = arith.addi %mul3A_28, %add3A_29 : i32
      %get3A_31 = arith.index_cast %add3A_30 : i32 to index
      %get3A_32 = tpu.vector_load %arg5[%get3A_31] {strides = array<i32>} : memref<2048xf32, #tpu.memory_space<vmem>>, vector<16xf32>,
      %add3A_33 = arith.constant 16 : i32
      %add3A_34 = vector.broadcast %add3A_33 : i32 to vector<16xi32>
      %add3A_35 = arith.addi %iota3A, %add3A_34 : vector<16xi32>
      %masked_sort3A_36 = arith.constant dense<true> : vector<16xi1>
      %masked_sort3A_37, %masked_sort3A_38, %masked_sort3A_39 = tpu.sort %get3A_32, %add3A_35 masked %masked_sort3A_36 {descending = true} : (vector<16xf32>, vector<16xi32>, vector<16xi1>) -> (vector<16xi1>, vector<16xf32>, vector<16xi32>)
      %mul3A_40 = arith.constant 64 : i32
      %mul3A_41 = arith.muli %scan3A_15, %mul3A_40 : i32
      %add3A_42 = arith.constant 32 : i32
      %add3A_43 = arith.addi %mul3A_41, %add3A_42 : i32
      %get3A_44 = arith.index_cast %add3A_43 : i32 to index
      %get3A_45 = tpu.vector_load %arg5[%get3A_44] {strides = array<i32>} : memref<2048xf32, #tpu.memory_space<vmem>>, vector<16xf32>,
      %add3A_46 = arith.constant 32 : i32
      %add3A_47 = vector.broadcast %add3A_46 : i32 to vector<16xi32>
      %add3A_48 = arith.addi %iota3A, %add3A_47 : vector<16xi32>
      %masked_sort3A_49 = arith.constant dense<true> : vector<16xi1>
      %masked_sort3A_50, %masked_sort3A_51, %masked_sort3A_52 = tpu.sort %get3A_45, %add3A_48 masked %masked_sort3A_49 {descending = true} : (vector<16xf32>, vector<16xi32>, vector<16xi1>) -> (vector<16xi1>, vector<16xf32>, vector<16xi32>)
      %mul3A_53 = arith.constant 64 : i32
      %mul3A_54 = arith.muli %scan3A_15, %mul3A_53 : i32
      %add3A_55 = arith.constant 48 : i32
      %add3A_56 = arith.addi %mul3A_54, %add3A_55 : i32
      %get3A_57 = arith.index_cast %add3A_56 : i32 to index
      %get3A_58 = tpu.vector_load %arg5[%get3A_57] {strides = array<i32>} : memref<2048xf32, #tpu.memory_space<vmem>>, vector<16xf32>,
      %add3A_59 = arith.constant 48 : i32
      %add3A_60 = vector.broadcast %add3A_59 : i32 to vector<16xi32>
      %add3A_61 = arith.addi %iota3A, %add3A_60 : vector<16xi32>
      %masked_sort3A_62 = arith.constant dense<true> : vector<16xi1>
      %masked_sort3A_63, %masked_sort3A_64, %masked_sort3A_65 = tpu.sort %get3A_58, %add3A_61 masked %masked_sort3A_62 {descending = true} : (vector<16xf32>, vector<16xi32>, vector<16xi1>) -> (vector<16xi1>, vector<16xf32>, vector<16xi32>)
      %rev3A = arith.constant 15 : i32
      %rev3A_66 = vector.broadcast %rev3A : i32 to vector<16xi32>
      %rev3A_67 = tpu.iota {dimensions = array<i32: 0>} : vector<16xi32>
      %rev3A_68 = arith.subi %rev3A_66, %rev3A_67 : vector<16xi32>
      %rev3A_69 = tpu.dynamic_gather %masked_sort3A_38[%rev3A_68] in [0] : vector<16xf32>, vector<16xi32> -> vector<16xf32>
      %select_n3A = arith.select %lt3A_4, %masked_sort3A_25, %rev3A_69 : vector<16xi1>, vector<16xf32>
      %rev3A_70 = arith.constant 15 : i32
      %rev3A_71 = vector.broadcast %rev3A_70 : i32 to vector<16xi32>
      %rev3A_72 = tpu.iota {dimensions = array<i32: 0>} : vector<16xi32>
      %rev3A_73 = arith.subi %rev3A_71, %rev3A_72 : vector<16xi32>
      %rev3A_74 = tpu.dynamic_gather %masked_sort3A_39[%rev3A_73] in [0] : vector<16xi32>, vector<16xi32> -> vector<16xi32>
      %select_n3A_75 = arith.select %lt3A_4, %masked_sort3A_26, %rev3A_74 : vector<16xi1>, vector<16xi32>
      %masked_sort3A_76 = arith.constant dense<true> : vector<16xi1>
      %masked_sort3A_77, %masked_sort3A_78, %masked_sort3A_79 = tpu.sort %select_n3A, %select_n3A_75 masked %masked_sort3A_76 {descending = true} : (vector<16xf32>, vector<16xi32>, vector<16xi1>) -> (vector<16xi1>, vector<16xf32>, vector<16xi32>)
      %rev3A_80 = arith.constant 15 : i32
      %rev3A_81 = vector.broadcast %rev3A_80 : i32 to vector<16xi32>
      %rev3A_82 = tpu.iota {dimensions = array<i32: 0>} : vector<16xi32>
      %rev3A_83 = arith.subi %rev3A_81, %rev3A_82 : vector<16xi32>
      %rev3A_84 = tpu.dynamic_gather %masked_sort3A_64[%rev3A_83] in [0] : vector<16xf32>, vector<16xi32> -> vector<16xf32>
      %select_n3A_85 = arith.select %lt3A_4, %masked_sort3A_51, %rev3A_84 : vector<16xi1>, vector<16xf32>
      %rev3A_86 = arith.constant 15 : i32
      %rev3A_87 = vector.broadcast %rev3A_86 : i32 to vector<16xi32>
      %rev3A_88 = tpu.iota {dimensions = array<i32: 0>} : vector<16xi32>
      %rev3A_89 = arith.subi %rev3A_87, %rev3A_88 : vector<16xi32>
      %rev3A_90 = tpu.dynamic_gather %masked_sort3A_65[%rev3A_89] in [0] : vector<16xi32>, vector<16xi32> -> vector<16xi32>
      %select_n3A_91 = arith.select %lt3A_4, %masked_sort3A_52, %rev3A_90 : vector<16xi1>, vector<16xi32>
      %masked_sort3A_92 = arith.constant dense<true> : vector<16xi1>
      %masked_sort3A_93, %masked_sort3A_94, %masked_sort3A_95 = tpu.sort %select_n3A_85, %select_n3A_91 masked %masked_sort3A_92 {descending = true} : (vector<16xf32>, vector<16xi32>, vector<16xi1>) -> (vector<16xi1>, vector<16xf32>, vector<16xi32>)
      %rev3A_96 = arith.constant 15 : i32
      %rev3A_97 = vector.broadcast %rev3A_96 : i32 to vector<16xi32>
      %rev3A_98 = tpu.iota {dimensions = array<i32: 0>} : vector<16xi32>
      %rev3A_99 = arith.subi %rev3A_97, %rev3A_98 : vector<16xi32>
      %rev3A_100 = tpu.dynamic_gather %masked_sort3A_94[%rev3A_99] in [0] : vector<16xf32>, vector<16xi32> -> vector<16xf32>
      %select_n3A_101 = arith.select %lt3A_4, %masked_sort3A_78, %rev3A_100 : vector<16xi1>, vector<16xf32>
      %rev3A_102 = arith.constant 15 : i32
      %rev3A_103 = vector.broadcast %rev3A_102 : i32 to vector<16xi32>
      %rev3A_104 = tpu.iota {dimensions = array<i32: 0>} : vector<16xi32>
      %rev3A_105 = arith.subi %rev3A_103, %rev3A_104 : vector<16xi32>
      %rev3A_106 = tpu.dynamic_gather %masked_sort3A_95[%rev3A_105] in [0] : vector<16xi32>, vector<16xi32> -> vector<16xi32>
      %select_n3A_107 = arith.select %lt3A_4, %masked_sort3A_79, %rev3A_106 : vector<16xi1>, vector<16xi32>
      %masked_sort3A_108 = arith.constant dense<true> : vector<16xi1>
      %masked_sort3A_109, %masked_sort3A_110, %masked_sort3A_111 = tpu.sort %select_n3A_101, %select_n3A_107 masked %masked_sort3A_108 {descending = true} : (vector<16xf32>, vector<16xi32>, vector<16xi1>) -> (vector<16xi1>, vector<16xf32>, vector<16xi32>)
      %select_n3A_112 = arith.select %lt3A_4, %masked_sort3A_110, %broadcast_in_dim3A_5 : vector<16xi1>, vector<16xf32>
      %reduce_sum3A = arith.constant true
      %reduce_sum3A_113 = vector.broadcast %reduce_sum3A : i1 to vector<16xi1>
      %reduce_sum3A_114 = tpu.scan <sum>, %select_n3A_112 masked %reduce_sum3A_113 : vector<16xf32>, vector<16xi1> -> vector<16xf32>
      %reduce_sum3A_115 = vector.extract %reduce_sum3A_114[15] : f32 from vector<16xf32>
      %div3A = vector.broadcast %reduce_sum3A_115 : f32 to vector<16xf32>
      %div3A_116 = arith.divf %masked_sort3A_110, %div3A : vector<16xf32>
      %mul3A_117 = arith.constant 8 : i32
      %mul3A_118 = arith.muli %scan3A_15, %mul3A_117 : i32
      %swap3A = arith.index_cast %mul3A_118 : i32 to index
      %swap3A_119 = tpu.vector_load %arg6[%swap3A] masked %lt3A_4 {strides = array<i32>} : memref<272xf32, #tpu.memory_space<vmem>>, vector<16xf32>, vector<16xi1>
      tpu.vector_store %arg6[%swap3A], %div3A_116 masked %lt3A_4 {strides = array<i32>} : memref<272xf32, #tpu.memory_space<vmem>>, vector<16xf32>, vector<16xi1>
      %mul3A_120 = arith.constant 8 : i32
      %mul3A_121 = arith.muli %scan3A_15, %mul3A_120 : i32
      %swap3A_122 = arith.index_cast %mul3A_121 : i32 to index
      %swap3A_123 = tpu.vector_load %arg7[%swap3A_122] masked %lt3A_4 {strides = array<i32>} : memref<272xi32, #tpu.memory_space<vmem>>, vector<16xi32>, vector<16xi1>
      tpu.vector_store %arg7[%swap3A_122], %masked_sort3A_111 masked %lt3A_4 {strides = array<i32>} : memref<272xi32, #tpu.memory_space<vmem>>, vector<16xi32>, vector<16xi1>
    }
    %scan3A_10 = arith.constant 32 : i32
    %mul3A_11 = arith.constant 256 : i32
    %mul3A_12 = arith.muli %add3A, %mul3A_11 : i32
    "tpu.region"() ({
      %run_scoped3A = tpu.sem_alloc : memref<!tpu.dma_semaphore, #tpu.memory_space<semaphore_mem>>
      %dma_start3A = arith.constant 0 : i32
      %dma_start3A_15 = tpu.memref_slice %arg6[%dma_start3A] : memref<272xf32, #tpu.memory_space<vmem>> -> memref<256xf32, #tpu.memory_space<vmem>>
      %dma_start3A_16 = tpu.memref_slice %arg3[%mul3A_12] : memref<8192xf32, #tpu.memory_space<hbm>> -> memref<256xf32, #tpu.memory_space<hbm>>
      %dma_start3A_17 = tpu.memref_slice %arg3[%mul3A_12] : memref<8192xf32, #tpu.memory_space<hbm>> -> memref<256xf32, #tpu.memory_space<hbm>>
      %dma_start3A_18 = arith.constant 0 : i32
      %dma_start3A_19 = tpu.memref_slice %arg6[%dma_start3A_18] : memref<272xf32, #tpu.memory_space<vmem>> -> memref<256xf32, #tpu.memory_space<vmem>>
      tpu.enqueue_dma source(%dma_start3A_19 : memref<256xf32, #tpu.memory_space<vmem>>) target(%dma_start3A_17 : memref<256xf32, #tpu.memory_space<hbm>>) target_semaphore(%run_scoped3A : memref<!tpu.dma_semaphore, #tpu.memory_space<semaphore_mem>>)
      %dma_wait3A = arith.constant 0 : i32
      %dma_wait3A_20 = tpu.memref_slice %arg6[%dma_wait3A] : memref<272xf32, #tpu.memory_space<vmem>> -> memref<256xf32, #tpu.memory_space<vmem>>
      %dma_wait3A_21 = tpu.memref_slice %arg3[%mul3A_12] : memref<8192xf32, #tpu.memory_space<hbm>> -> memref<256xf32, #tpu.memory_space<hbm>>
      %dma_wait3A_22 = tpu.memref_slice %arg3[%mul3A_12] : memref<8192xf32, #tpu.memory_space<hbm>> -> memref<256xf32, #tpu.memory_space<hbm>>
      %dma_wait3A_23 = arith.constant 0 : i32
      %dma_wait3A_24 = tpu.memref_slice %arg6[%dma_wait3A_23] : memref<272xf32, #tpu.memory_space<vmem>> -> memref<256xf32, #tpu.memory_space<vmem>>
      tpu.wait_dma2 semaphore(%run_scoped3A : memref<!tpu.dma_semaphore, #tpu.memory_space<semaphore_mem>>) src(%dma_wait3A_24 : memref<256xf32, #tpu.memory_space<vmem>>) dst(%dma_wait3A_22 : memref<256xf32, #tpu.memory_space<hbm>>)
      tpu.yield
    }) : () -> ()
    %mul3A_13 = arith.constant 256 : i32
    %mul3A_14 = arith.muli %add3A, %mul3A_13 : i32
    "tpu.region"() ({
      %run_scoped3A = tpu.sem_alloc : memref<!tpu.dma_semaphore, #tpu.memory_space<semaphore_mem>>
      %dma_start3A = arith.constant 0 : i32
      %dma_start3A_15 = tpu.memref_slice %arg7[%dma_start3A] : memref<272xi32, #tpu.memory_space<vmem>> -> memref<256xi32, #tpu.memory_space<vmem>>
      %dma_start3A_16 = tpu.memref_slice %arg4[%mul3A_14] : memref<8192xi32, #tpu.memory_space<hbm>> -> memref<256xi32, #tpu.memory_space<hbm>>
      %dma_start3A_17 = tpu.memref_slice %arg4[%mul3A_14] : memref<8192xi32, #tpu.memory_space<hbm>> -> memref<256xi32, #tpu.memory_space<hbm>>
      %dma_start3A_18 = arith.constant 0 : i32
      %dma_start3A_19 = tpu.memref_slice %arg7[%dma_start3A_18] : memref<272xi32, #tpu.memory_space<vmem>> -> memref<256xi32, #tpu.memory_space<vmem>>
      tpu.enqueue_dma source(%dma_start3A_19 : memref<256xi32, #tpu.memory_space<vmem>>) target(%dma_start3A_17 : memref<256xi32, #tpu.memory_space<hbm>>) target_semaphore(%run_scoped3A : memref<!tpu.dma_semaphore, #tpu.memory_space<semaphore_mem>>)
      %dma_wait3A = arith.constant 0 : i32
      %dma_wait3A_20 = tpu.memref_slice %arg7[%dma_wait3A] : memref<272xi32, #tpu.memory_space<vmem>> -> memref<256xi32, #tpu.memory_space<vmem>>
      %dma_wait3A_21 = tpu.memref_slice %arg4[%mul3A_14] : memref<8192xi32, #tpu.memory_space<hbm>> -> memref<256xi32, #tpu.memory_space<hbm>>
      %dma_wait3A_22 = tpu.memref_slice %arg4[%mul3A_14] : memref<8192xi32, #tpu.memory_space<hbm>> -> memref<256xi32, #tpu.memory_space<hbm>>
      %dma_wait3A_23 = arith.constant 0 : i32
      %dma_wait3A_24 = tpu.memref_slice %arg7[%dma_wait3A_23] : memref<272xi32, #tpu.memory_space<vmem>> -> memref<256xi32, #tpu.memory_space<vmem>>
      tpu.wait_dma2 semaphore(%run_scoped3A : memref<!tpu.dma_semaphore, #tpu.memory_space<semaphore_mem>>) src(%dma_wait3A_24 : memref<256xi32, #tpu.memory_space<vmem>>) dst(%dma_wait3A_22 : memref<256xi32, #tpu.memory_space<hbm>>)
      tpu.yield
    }) : () -> ()
    return
  }
}

#map = affine_map<(d0, d1) -> (0)>
module attributes {stable_mosaic.version = 14 : i64} {
  func.func @topk_kernel(%arg0: i32, %arg1: i32, %arg2: memref<688128xf32, #tpu.memory_space<hbm>>, %arg3: memref<86016xf32, #tpu.memory_space<hbm>>, %arg4: memref<86016xi32, #tpu.memory_space<hbm>>, %arg5: memref<21504xf32, #tpu.memory_space<vmem>>, %arg6: memref<2704xf32, #tpu.memory_space<vmem>>, %arg7: memref<2704xi32, #tpu.memory_space<vmem>>) attributes {dimension_semantics = [#tpu.dimension_semantics<core_parallel>, #tpu.dimension_semantics<subcore_parallel>], iteration_bounds = array<i64: 2, 16>, scalar_prefetch = 0 : i64, scratch_operands = 3 : i64, tpu.core_type = #tpu.core_type<sc_vector_subcore>, window_params = [{transform_indices = #map}, {transform_indices = #map}, {transform_indices = #map}]} {
    %mul3A = arith.constant 2 : i32
    %mul3A_0 = arith.muli %arg1, %mul3A : i32
    %add3A = arith.addi %mul3A_0, %arg0 : i32
    %mul3A_1 = arith.constant 21504 : i32
    %mul3A_2 = arith.muli %add3A, %mul3A_1 : i32
    "tpu.region"() ({
      %run_scoped3A = tpu.sem_alloc : memref<!tpu.dma_semaphore, #tpu.memory_space<semaphore_mem>>
      %dma_start3A = tpu.memref_slice %arg2[%mul3A_2] : memref<688128xf32, #tpu.memory_space<hbm>> -> memref<21504xf32, #tpu.memory_space<hbm>>
      %dma_start3A_15 = tpu.memref_slice %arg2[%mul3A_2] : memref<688128xf32, #tpu.memory_space<hbm>> -> memref<21504xf32, #tpu.memory_space<hbm>>
      tpu.enqueue_dma source(%dma_start3A_15 : memref<21504xf32, #tpu.memory_space<hbm>>) target(%arg5 : memref<21504xf32, #tpu.memory_space<vmem>>) target_semaphore(%run_scoped3A : memref<!tpu.dma_semaphore, #tpu.memory_space<semaphore_mem>>)
      %dma_wait3A = tpu.memref_slice %arg2[%mul3A_2] : memref<688128xf32, #tpu.memory_space<hbm>> -> memref<21504xf32, #tpu.memory_space<hbm>>
      %dma_wait3A_16 = tpu.memref_slice %arg2[%mul3A_2] : memref<688128xf32, #tpu.memory_space<hbm>> -> memref<21504xf32, #tpu.memory_space<hbm>>
      tpu.wait_dma2 semaphore(%run_scoped3A : memref<!tpu.dma_semaphore, #tpu.memory_space<semaphore_mem>>) src(%dma_wait3A_16 : memref<21504xf32, #tpu.memory_space<hbm>>) dst(%arg5 : memref<21504xf32, #tpu.memory_space<vmem>>)
      tpu.yield
    }) : () -> ()
    %iota3A = tpu.iota {dimensions = array<i32: 0>} : vector<16xi32>
    %lt3A = arith.constant 8 : i32
    %lt3A_3 = vector.broadcast %lt3A : i32 to vector<16xi32>
    %lt3A_4 = arith.cmpi slt, %iota3A, %lt3A_3 : vector<16xi32>
    %broadcast_in_dim3A = arith.constant 0.000000e+00 : f32
    %broadcast_in_dim3A_5 = vector.broadcast %broadcast_in_dim3A : f32 to vector<16xf32>
    %scan3A = arith.constant 0 : i32
    %scan3A_6 = arith.constant 0 : i32
    %scan3A_7 = arith.constant 336 : i32
    %scan3A_8 = arith.addi %scan3A_6, %scan3A_7 : i32
    %scan3A_9 = arith.constant 1 : i32
    scf.for %scan3A_15 = %scan3A_6 to %scan3A_8 step %scan3A_9  : i32 {
      %mul3A_16 = arith.constant 64 : i32
      %mul3A_17 = arith.muli %scan3A_15, %mul3A_16 : i32
      %add3A_18 = arith.constant 0 : i32
      %add3A_19 = arith.addi %mul3A_17, %add3A_18 : i32
      %get3A = arith.index_cast %add3A_19 : i32 to index
      %get3A_20 = tpu.vector_load %arg5[%get3A] {strides = array<i32>} : memref<21504xf32, #tpu.memory_space<vmem>>, vector<16xf32>,
      %add3A_21 = arith.constant 0 : i32
      %add3A_22 = vector.broadcast %add3A_21 : i32 to vector<16xi32>
      %add3A_23 = arith.addi %iota3A, %add3A_22 : vector<16xi32>
      %masked_sort3A = arith.constant dense<true> : vector<16xi1>
      %masked_sort3A_24, %masked_sort3A_25, %masked_sort3A_26 = tpu.sort %get3A_20, %add3A_23 masked %masked_sort3A {descending = true} : (vector<16xf32>, vector<16xi32>, vector<16xi1>) -> (vector<16xi1>, vector<16xf32>, vector<16xi32>)
      %mul3A_27 = arith.constant 64 : i32
      %mul3A_28 = arith.muli %scan3A_15, %mul3A_27 : i32
      %add3A_29 = arith.constant 16 : i32
      %add3A_30 = arith.addi %mul3A_28, %add3A_29 : i32
      %get3A_31 = arith.index_cast %add3A_30 : i32 to index
      %get3A_32 = tpu.vector_load %arg5[%get3A_31] {strides = array<i32>} : memref<21504xf32, #tpu.memory_space<vmem>>, vector<16xf32>,
      %add3A_33 = arith.constant 16 : i32
      %add3A_34 = vector.broadcast %add3A_33 : i32 to vector<16xi32>
      %add3A_35 = arith.addi %iota3A, %add3A_34 : vector<16xi32>
      %masked_sort3A_36 = arith.constant dense<true> : vector<16xi1>
      %masked_sort3A_37, %masked_sort3A_38, %masked_sort3A_39 = tpu.sort %get3A_32, %add3A_35 masked %masked_sort3A_36 {descending = true} : (vector<16xf32>, vector<16xi32>, vector<16xi1>) -> (vector<16xi1>, vector<16xf32>, vector<16xi32>)
      %mul3A_40 = arith.constant 64 : i32
      %mul3A_41 = arith.muli %scan3A_15, %mul3A_40 : i32
      %add3A_42 = arith.constant 32 : i32
      %add3A_43 = arith.addi %mul3A_41, %add3A_42 : i32
      %get3A_44 = arith.index_cast %add3A_43 : i32 to index
      %get3A_45 = tpu.vector_load %arg5[%get3A_44] {strides = array<i32>} : memref<21504xf32, #tpu.memory_space<vmem>>, vector<16xf32>,
      %add3A_46 = arith.constant 32 : i32
      %add3A_47 = vector.broadcast %add3A_46 : i32 to vector<16xi32>
      %add3A_48 = arith.addi %iota3A, %add3A_47 : vector<16xi32>
      %masked_sort3A_49 = arith.constant dense<true> : vector<16xi1>
      %masked_sort3A_50, %masked_sort3A_51, %masked_sort3A_52 = tpu.sort %get3A_45, %add3A_48 masked %masked_sort3A_49 {descending = true} : (vector<16xf32>, vector<16xi32>, vector<16xi1>) -> (vector<16xi1>, vector<16xf32>, vector<16xi32>)
      %mul3A_53 = arith.constant 64 : i32
      %mul3A_54 = arith.muli %scan3A_15, %mul3A_53 : i32
      %add3A_55 = arith.constant 48 : i32
      %add3A_56 = arith.addi %mul3A_54, %add3A_55 : i32
      %get3A_57 = arith.index_cast %add3A_56 : i32 to index
      %get3A_58 = tpu.vector_load %arg5[%get3A_57] {strides = array<i32>} : memref<21504xf32, #tpu.memory_space<vmem>>, vector<16xf32>,
      %add3A_59 = arith.constant 48 : i32
      %add3A_60 = vector.broadcast %add3A_59 : i32 to vector<16xi32>
      %add3A_61 = arith.addi %iota3A, %add3A_60 : vector<16xi32>
      %masked_sort3A_62 = arith.constant dense<true> : vector<16xi1>
      %masked_sort3A_63, %masked_sort3A_64, %masked_sort3A_65 = tpu.sort %get3A_58, %add3A_61 masked %masked_sort3A_62 {descending = true} : (vector<16xf32>, vector<16xi32>, vector<16xi1>) -> (vector<16xi1>, vector<16xf32>, vector<16xi32>)
      %rev3A = arith.constant 15 : i32
      %rev3A_66 = vector.broadcast %rev3A : i32 to vector<16xi32>
      %rev3A_67 = tpu.iota {dimensions = array<i32: 0>} : vector<16xi32>
      %rev3A_68 = arith.subi %rev3A_66, %rev3A_67 : vector<16xi32>
      %rev3A_69 = tpu.dynamic_gather %masked_sort3A_38[%rev3A_68] in [0] : vector<16xf32>, vector<16xi32> -> vector<16xf32>
      %select_n3A = arith.select %lt3A_4, %masked_sort3A_25, %rev3A_69 : vector<16xi1>, vector<16xf32>
      %rev3A_70 = arith.constant 15 : i32
      %rev3A_71 = vector.broadcast %rev3A_70 : i32 to vector<16xi32>
      %rev3A_72 = tpu.iota {dimensions = array<i32: 0>} : vector<16xi32>
      %rev3A_73 = arith.subi %rev3A_71, %rev3A_72 : vector<16xi32>
      %rev3A_74 = tpu.dynamic_gather %masked_sort3A_39[%rev3A_73] in [0] : vector<16xi32>, vector<16xi32> -> vector<16xi32>
      %select_n3A_75 = arith.select %lt3A_4, %masked_sort3A_26, %rev3A_74 : vector<16xi1>, vector<16xi32>
      %masked_sort3A_76 = arith.constant dense<true> : vector<16xi1>
      %masked_sort3A_77, %masked_sort3A_78, %masked_sort3A_79 = tpu.sort %select_n3A, %select_n3A_75 masked %masked_sort3A_76 {descending = true} : (vector<16xf32>, vector<16xi32>, vector<16xi1>) -> (vector<16xi1>, vector<16xf32>, vector<16xi32>)
      %rev3A_80 = arith.constant 15 : i32
      %rev3A_81 = vector.broadcast %rev3A_80 : i32 to vector<16xi32>
      %rev3A_82 = tpu.iota {dimensions = array<i32: 0>} : vector<16xi32>
      %rev3A_83 = arith.subi %rev3A_81, %rev3A_82 : vector<16xi32>
      %rev3A_84 = tpu.dynamic_gather %masked_sort3A_64[%rev3A_83] in [0] : vector<16xf32>, vector<16xi32> -> vector<16xf32>
      %select_n3A_85 = arith.select %lt3A_4, %masked_sort3A_51, %rev3A_84 : vector<16xi1>, vector<16xf32>
      %rev3A_86 = arith.constant 15 : i32
      %rev3A_87 = vector.broadcast %rev3A_86 : i32 to vector<16xi32>
      %rev3A_88 = tpu.iota {dimensions = array<i32: 0>} : vector<16xi32>
      %rev3A_89 = arith.subi %rev3A_87, %rev3A_88 : vector<16xi32>
      %rev3A_90 = tpu.dynamic_gather %masked_sort3A_65[%rev3A_89] in [0] : vector<16xi32>, vector<16xi32> -> vector<16xi32>
      %select_n3A_91 = arith.select %lt3A_4, %masked_sort3A_52, %rev3A_90 : vector<16xi1>, vector<16xi32>
      %masked_sort3A_92 = arith.constant dense<true> : vector<16xi1>
      %masked_sort3A_93, %masked_sort3A_94, %masked_sort3A_95 = tpu.sort %select_n3A_85, %select_n3A_91 masked %masked_sort3A_92 {descending = true} : (vector<16xf32>, vector<16xi32>, vector<16xi1>) -> (vector<16xi1>, vector<16xf32>, vector<16xi32>)
      %rev3A_96 = arith.constant 15 : i32
      %rev3A_97 = vector.broadcast %rev3A_96 : i32 to vector<16xi32>
      %rev3A_98 = tpu.iota {dimensions = array<i32: 0>} : vector<16xi32>
      %rev3A_99 = arith.subi %rev3A_97, %rev3A_98 : vector<16xi32>
      %rev3A_100 = tpu.dynamic_gather %masked_sort3A_94[%rev3A_99] in [0] : vector<16xf32>, vector<16xi32> -> vector<16xf32>
      %select_n3A_101 = arith.select %lt3A_4, %masked_sort3A_78, %rev3A_100 : vector<16xi1>, vector<16xf32>
      %rev3A_102 = arith.constant 15 : i32
      %rev3A_103 = vector.broadcast %rev3A_102 : i32 to vector<16xi32>
      %rev3A_104 = tpu.iota {dimensions = array<i32: 0>} : vector<16xi32>
      %rev3A_105 = arith.subi %rev3A_103, %rev3A_104 : vector<16xi32>
      %rev3A_106 = tpu.dynamic_gather %masked_sort3A_95[%rev3A_105] in [0] : vector<16xi32>, vector<16xi32> -> vector<16xi32>
      %select_n3A_107 = arith.select %lt3A_4, %masked_sort3A_79, %rev3A_106 : vector<16xi1>, vector<16xi32>
      %masked_sort3A_108 = arith.constant dense<true> : vector<16xi1>
      %masked_sort3A_109, %masked_sort3A_110, %masked_sort3A_111 = tpu.sort %select_n3A_101, %select_n3A_107 masked %masked_sort3A_108 {descending = true} : (vector<16xf32>, vector<16xi32>, vector<16xi1>) -> (vector<16xi1>, vector<16xf32>, vector<16xi32>)
      %select_n3A_112 = arith.select %lt3A_4, %masked_sort3A_110, %broadcast_in_dim3A_5 : vector<16xi1>, vector<16xf32>
      %reduce_sum3A = arith.constant true
      %reduce_sum3A_113 = vector.broadcast %reduce_sum3A : i1 to vector<16xi1>
      %reduce_sum3A_114 = tpu.scan <sum>, %select_n3A_112 masked %reduce_sum3A_113 : vector<16xf32>, vector<16xi1> -> vector<16xf32>
      %reduce_sum3A_115 = vector.extract %reduce_sum3A_114[15] : f32 from vector<16xf32>
      %div3A = vector.broadcast %reduce_sum3A_115 : f32 to vector<16xf32>
      %div3A_116 = arith.divf %masked_sort3A_110, %div3A : vector<16xf32>
      %mul3A_117 = arith.constant 8 : i32
      %mul3A_118 = arith.muli %scan3A_15, %mul3A_117 : i32
      %swap3A = arith.index_cast %mul3A_118 : i32 to index
      %swap3A_119 = tpu.vector_load %arg6[%swap3A] masked %lt3A_4 {strides = array<i32>} : memref<2704xf32, #tpu.memory_space<vmem>>, vector<16xf32>, vector<16xi1>
      tpu.vector_store %arg6[%swap3A], %div3A_116 masked %lt3A_4 {strides = array<i32>} : memref<2704xf32, #tpu.memory_space<vmem>>, vector<16xf32>, vector<16xi1>
      %mul3A_120 = arith.constant 8 : i32
      %mul3A_121 = arith.muli %scan3A_15, %mul3A_120 : i32
      %swap3A_122 = arith.index_cast %mul3A_121 : i32 to index
      %swap3A_123 = tpu.vector_load %arg7[%swap3A_122] masked %lt3A_4 {strides = array<i32>} : memref<2704xi32, #tpu.memory_space<vmem>>, vector<16xi32>, vector<16xi1>
      tpu.vector_store %arg7[%swap3A_122], %masked_sort3A_111 masked %lt3A_4 {strides = array<i32>} : memref<2704xi32, #tpu.memory_space<vmem>>, vector<16xi32>, vector<16xi1>
    }
    %scan3A_10 = arith.constant 336 : i32
    %mul3A_11 = arith.constant 2688 : i32
    %mul3A_12 = arith.muli %add3A, %mul3A_11 : i32
    "tpu.region"() ({
      %run_scoped3A = tpu.sem_alloc : memref<!tpu.dma_semaphore, #tpu.memory_space<semaphore_mem>>
      %dma_start3A = arith.constant 0 : i32
      %dma_start3A_15 = tpu.memref_slice %arg6[%dma_start3A] : memref<2704xf32, #tpu.memory_space<vmem>> -> memref<2688xf32, #tpu.memory_space<vmem>>
      %dma_start3A_16 = tpu.memref_slice %arg3[%mul3A_12] : memref<86016xf32, #tpu.memory_space<hbm>> -> memref<2688xf32, #tpu.memory_space<hbm>>
      %dma_start3A_17 = tpu.memref_slice %arg3[%mul3A_12] : memref<86016xf32, #tpu.memory_space<hbm>> -> memref<2688xf32, #tpu.memory_space<hbm>>
      %dma_start3A_18 = arith.constant 0 : i32
      %dma_start3A_19 = tpu.memref_slice %arg6[%dma_start3A_18] : memref<2704xf32, #tpu.memory_space<vmem>> -> memref<2688xf32, #tpu.memory_space<vmem>>
      tpu.enqueue_dma source(%dma_start3A_19 : memref<2688xf32, #tpu.memory_space<vmem>>) target(%dma_start3A_17 : memref<2688xf32, #tpu.memory_space<hbm>>) target_semaphore(%run_scoped3A : memref<!tpu.dma_semaphore, #tpu.memory_space<semaphore_mem>>)
      %dma_wait3A = arith.constant 0 : i32
      %dma_wait3A_20 = tpu.memref_slice %arg6[%dma_wait3A] : memref<2704xf32, #tpu.memory_space<vmem>> -> memref<2688xf32, #tpu.memory_space<vmem>>
      %dma_wait3A_21 = tpu.memref_slice %arg3[%mul3A_12] : memref<86016xf32, #tpu.memory_space<hbm>> -> memref<2688xf32, #tpu.memory_space<hbm>>
      %dma_wait3A_22 = tpu.memref_slice %arg3[%mul3A_12] : memref<86016xf32, #tpu.memory_space<hbm>> -> memref<2688xf32, #tpu.memory_space<hbm>>
      %dma_wait3A_23 = arith.constant 0 : i32
      %dma_wait3A_24 = tpu.memref_slice %arg6[%dma_wait3A_23] : memref<2704xf32, #tpu.memory_space<vmem>> -> memref<2688xf32, #tpu.memory_space<vmem>>
      tpu.wait_dma2 semaphore(%run_scoped3A : memref<!tpu.dma_semaphore, #tpu.memory_space<semaphore_mem>>) src(%dma_wait3A_24 : memref<2688xf32, #tpu.memory_space<vmem>>) dst(%dma_wait3A_22 : memref<2688xf32, #tpu.memory_space<hbm>>)
      tpu.yield
    }) : () -> ()
    %mul3A_13 = arith.constant 2688 : i32
    %mul3A_14 = arith.muli %add3A, %mul3A_13 : i32
    "tpu.region"() ({
      %run_scoped3A = tpu.sem_alloc : memref<!tpu.dma_semaphore, #tpu.memory_space<semaphore_mem>>
      %dma_start3A = arith.constant 0 : i32
      %dma_start3A_15 = tpu.memref_slice %arg7[%dma_start3A] : memref<2704xi32, #tpu.memory_space<vmem>> -> memref<2688xi32, #tpu.memory_space<vmem>>
      %dma_start3A_16 = tpu.memref_slice %arg4[%mul3A_14] : memref<86016xi32, #tpu.memory_space<hbm>> -> memref<2688xi32, #tpu.memory_space<hbm>>
      %dma_start3A_17 = tpu.memref_slice %arg4[%mul3A_14] : memref<86016xi32, #tpu.memory_space<hbm>> -> memref<2688xi32, #tpu.memory_space<hbm>>
      %dma_start3A_18 = arith.constant 0 : i32
      %dma_start3A_19 = tpu.memref_slice %arg7[%dma_start3A_18] : memref<2704xi32, #tpu.memory_space<vmem>> -> memref<2688xi32, #tpu.memory_space<vmem>>
      tpu.enqueue_dma source(%dma_start3A_19 : memref<2688xi32, #tpu.memory_space<vmem>>) target(%dma_start3A_17 : memref<2688xi32, #tpu.memory_space<hbm>>) target_semaphore(%run_scoped3A : memref<!tpu.dma_semaphore, #tpu.memory_space<semaphore_mem>>)
      %dma_wait3A = arith.constant 0 : i32
      %dma_wait3A_20 = tpu.memref_slice %arg7[%dma_wait3A] : memref<2704xi32, #tpu.memory_space<vmem>> -> memref<2688xi32, #tpu.memory_space<vmem>>
      %dma_wait3A_21 = tpu.memref_slice %arg4[%mul3A_14] : memref<86016xi32, #tpu.memory_space<hbm>> -> memref<2688xi32, #tpu.memory_space<hbm>>
      %dma_wait3A_22 = tpu.memref_slice %arg4[%mul3A_14] : memref<86016xi32, #tpu.memory_space<hbm>> -> memref<2688xi32, #tpu.memory_space<hbm>>
      %dma_wait3A_23 = arith.constant 0 : i32
      %dma_wait3A_24 = tpu.memref_slice %arg7[%dma_wait3A_23] : memref<2704xi32, #tpu.memory_space<vmem>> -> memref<2688xi32, #tpu.memory_space<vmem>>
      tpu.wait_dma2 semaphore(%run_scoped3A : memref<!tpu.dma_semaphore, #tpu.memory_space<semaphore_mem>>) src(%dma_wait3A_24 : memref<2688xi32, #tpu.memory_space<vmem>>) dst(%dma_wait3A_22 : memref<2688xi32, #tpu.memory_space<hbm>>)
      tpu.yield
    }) : () -> ()
    return
  }
}

#map = affine_map<(d0, d1) -> (0)>
module attributes {stable_mosaic.version = 14 : i64} {
  func.func @topk_kernel(%arg0: i32, %arg1: i32, %arg2: memref<688128xf32, #tpu.memory_space<hbm>>, %arg3: memref<86016xf32, #tpu.memory_space<hbm>>, %arg4: memref<86016xi32, #tpu.memory_space<hbm>>, %arg5: memref<21504xf32, #tpu.memory_space<vmem>>, %arg6: memref<2704xf32, #tpu.memory_space<vmem>>, %arg7: memref<2704xi32, #tpu.memory_space<vmem>>) attributes {dimension_semantics = [#tpu.dimension_semantics<core_parallel>, #tpu.dimension_semantics<subcore_parallel>], iteration_bounds = array<i64: 2, 16>, scalar_prefetch = 0 : i64, scratch_operands = 3 : i64, tpu.core_type = #tpu.core_type<sc_vector_subcore>, window_params = [{transform_indices = #map}, {transform_indices = #map}, {transform_indices = #map}]} {
    %mul3A = arith.constant 2 : i32
    %mul3A_0 = arith.muli %arg1, %mul3A : i32
    %add3A = arith.addi %mul3A_0, %arg0 : i32
    %mul3A_1 = arith.constant 21504 : i32
    %mul3A_2 = arith.muli %add3A, %mul3A_1 : i32
    "tpu.region"() ({
      %run_scoped3A = tpu.sem_alloc : memref<!tpu.dma_semaphore, #tpu.memory_space<semaphore_mem>>
      %dma_start3A = tpu.memref_slice %arg2[%mul3A_2] : memref<688128xf32, #tpu.memory_space<hbm>> -> memref<21504xf32, #tpu.memory_space<hbm>>
      %dma_start3A_15 = tpu.memref_slice %arg2[%mul3A_2] : memref<688128xf32, #tpu.memory_space<hbm>> -> memref<21504xf32, #tpu.memory_space<hbm>>
      tpu.enqueue_dma source(%dma_start3A_15 : memref<21504xf32, #tpu.memory_space<hbm>>) target(%arg5 : memref<21504xf32, #tpu.memory_space<vmem>>) target_semaphore(%run_scoped3A : memref<!tpu.dma_semaphore, #tpu.memory_space<semaphore_mem>>)
      %dma_wait3A = tpu.memref_slice %arg2[%mul3A_2] : memref<688128xf32, #tpu.memory_space<hbm>> -> memref<21504xf32, #tpu.memory_space<hbm>>
      %dma_wait3A_16 = tpu.memref_slice %arg2[%mul3A_2] : memref<688128xf32, #tpu.memory_space<hbm>> -> memref<21504xf32, #tpu.memory_space<hbm>>
      tpu.wait_dma2 semaphore(%run_scoped3A : memref<!tpu.dma_semaphore, #tpu.memory_space<semaphore_mem>>) src(%dma_wait3A_16 : memref<21504xf32, #tpu.memory_space<hbm>>) dst(%arg5 : memref<21504xf32, #tpu.memory_space<vmem>>)
      tpu.yield
    }) : () -> ()
    %iota3A = tpu.iota {dimensions = array<i32: 0>} : vector<16xi32>
    %lt3A = arith.constant 8 : i32
    %lt3A_3 = vector.broadcast %lt3A : i32 to vector<16xi32>
    %lt3A_4 = arith.cmpi slt, %iota3A, %lt3A_3 : vector<16xi32>
    %broadcast_in_dim3A = arith.constant 0.000000e+00 : f32
    %broadcast_in_dim3A_5 = vector.broadcast %broadcast_in_dim3A : f32 to vector<16xf32>
    %scan3A = arith.constant 0 : i32
    %scan3A_6 = arith.constant 0 : i32
    %scan3A_7 = arith.constant 336 : i32
    %scan3A_8 = arith.addi %scan3A_6, %scan3A_7 : i32
    %scan3A_9 = arith.constant 1 : i32
    scf.for %scan3A_15 = %scan3A_6 to %scan3A_8 step %scan3A_9  : i32 {
      %mul3A_16 = arith.constant 64 : i32
      %mul3A_17 = arith.muli %scan3A_15, %mul3A_16 : i32
      %add3A_18 = arith.constant 0 : i32
      %add3A_19 = arith.addi %mul3A_17, %add3A_18 : i32
      %get3A = arith.index_cast %add3A_19 : i32 to index
      %get3A_20 = tpu.vector_load %arg5[%get3A] {strides = array<i32>} : memref<21504xf32, #tpu.memory_space<vmem>>, vector<16xf32>,
      %add3A_21 = arith.constant 0 : i32
      %add3A_22 = vector.broadcast %add3A_21 : i32 to vector<16xi32>
      %add3A_23 = arith.addi %iota3A, %add3A_22 : vector<16xi32>
      %masked_sort3A = arith.constant dense<true> : vector<16xi1>
      %masked_sort3A_24, %masked_sort3A_25, %masked_sort3A_26 = tpu.sort %get3A_20, %add3A_23 masked %masked_sort3A {descending = true} : (vector<16xf32>, vector<16xi32>, vector<16xi1>) -> (vector<16xi1>, vector<16xf32>, vector<16xi32>)
      %mul3A_27 = arith.constant 64 : i32
      %mul3A_28 = arith.muli %scan3A_15, %mul3A_27 : i32
      %add3A_29 = arith.constant 16 : i32
      %add3A_30 = arith.addi %mul3A_28, %add3A_29 : i32
      %get3A_31 = arith.index_cast %add3A_30 : i32 to index
      %get3A_32 = tpu.vector_load %arg5[%get3A_31] {strides = array<i32>} : memref<21504xf32, #tpu.memory_space<vmem>>, vector<16xf32>,
      %add3A_33 = arith.constant 16 : i32
      %add3A_34 = vector.broadcast %add3A_33 : i32 to vector<16xi32>
      %add3A_35 = arith.addi %iota3A, %add3A_34 : vector<16xi32>
      %masked_sort3A_36 = arith.constant dense<true> : vector<16xi1>
      %masked_sort3A_37, %masked_sort3A_38, %masked_sort3A_39 = tpu.sort %get3A_32, %add3A_35 masked %masked_sort3A_36 {descending = true} : (vector<16xf32>, vector<16xi32>, vector<16xi1>) -> (vector<16xi1>, vector<16xf32>, vector<16xi32>)
      %mul3A_40 = arith.constant 64 : i32
      %mul3A_41 = arith.muli %scan3A_15, %mul3A_40 : i32
      %add3A_42 = arith.constant 32 : i32
      %add3A_43 = arith.addi %mul3A_41, %add3A_42 : i32
      %get3A_44 = arith.index_cast %add3A_43 : i32 to index
      %get3A_45 = tpu.vector_load %arg5[%get3A_44] {strides = array<i32>} : memref<21504xf32, #tpu.memory_space<vmem>>, vector<16xf32>,
      %add3A_46 = arith.constant 32 : i32
      %add3A_47 = vector.broadcast %add3A_46 : i32 to vector<16xi32>
      %add3A_48 = arith.addi %iota3A, %add3A_47 : vector<16xi32>
      %masked_sort3A_49 = arith.constant dense<true> : vector<16xi1>
      %masked_sort3A_50, %masked_sort3A_51, %masked_sort3A_52 = tpu.sort %get3A_45, %add3A_48 masked %masked_sort3A_49 {descending = true} : (vector<16xf32>, vector<16xi32>, vector<16xi1>) -> (vector<16xi1>, vector<16xf32>, vector<16xi32>)
      %mul3A_53 = arith.constant 64 : i32
      %mul3A_54 = arith.muli %scan3A_15, %mul3A_53 : i32
      %add3A_55 = arith.constant 48 : i32
      %add3A_56 = arith.addi %mul3A_54, %add3A_55 : i32
      %get3A_57 = arith.index_cast %add3A_56 : i32 to index
      %get3A_58 = tpu.vector_load %arg5[%get3A_57] {strides = array<i32>} : memref<21504xf32, #tpu.memory_space<vmem>>, vector<16xf32>,
      %add3A_59 = arith.constant 48 : i32
      %add3A_60 = vector.broadcast %add3A_59 : i32 to vector<16xi32>
      %add3A_61 = arith.addi %iota3A, %add3A_60 : vector<16xi32>
      %masked_sort3A_62 = arith.constant dense<true> : vector<16xi1>
      %masked_sort3A_63, %masked_sort3A_64, %masked_sort3A_65 = tpu.sort %get3A_58, %add3A_61 masked %masked_sort3A_62 {descending = true} : (vector<16xf32>, vector<16xi32>, vector<16xi1>) -> (vector<16xi1>, vector<16xf32>, vector<16xi32>)
      %rev3A = arith.constant 15 : i32
      %rev3A_66 = vector.broadcast %rev3A : i32 to vector<16xi32>
      %rev3A_67 = tpu.iota {dimensions = array<i32: 0>} : vector<16xi32>
      %rev3A_68 = arith.subi %rev3A_66, %rev3A_67 : vector<16xi32>
      %rev3A_69 = tpu.dynamic_gather %masked_sort3A_38[%rev3A_68] in [0] : vector<16xf32>, vector<16xi32> -> vector<16xf32>
      %select_n3A = arith.select %lt3A_4, %masked_sort3A_25, %rev3A_69 : vector<16xi1>, vector<16xf32>
      %rev3A_70 = arith.constant 15 : i32
      %rev3A_71 = vector.broadcast %rev3A_70 : i32 to vector<16xi32>
      %rev3A_72 = tpu.iota {dimensions = array<i32: 0>} : vector<16xi32>
      %rev3A_73 = arith.subi %rev3A_71, %rev3A_72 : vector<16xi32>
      %rev3A_74 = tpu.dynamic_gather %masked_sort3A_39[%rev3A_73] in [0] : vector<16xi32>, vector<16xi32> -> vector<16xi32>
      %select_n3A_75 = arith.select %lt3A_4, %masked_sort3A_26, %rev3A_74 : vector<16xi1>, vector<16xi32>
      %masked_sort3A_76 = arith.constant dense<true> : vector<16xi1>
      %masked_sort3A_77, %masked_sort3A_78, %masked_sort3A_79 = tpu.sort %select_n3A, %select_n3A_75 masked %masked_sort3A_76 {descending = true} : (vector<16xf32>, vector<16xi32>, vector<16xi1>) -> (vector<16xi1>, vector<16xf32>, vector<16xi32>)
      %rev3A_80 = arith.constant 15 : i32
      %rev3A_81 = vector.broadcast %rev3A_80 : i32 to vector<16xi32>
      %rev3A_82 = tpu.iota {dimensions = array<i32: 0>} : vector<16xi32>
      %rev3A_83 = arith.subi %rev3A_81, %rev3A_82 : vector<16xi32>
      %rev3A_84 = tpu.dynamic_gather %masked_sort3A_64[%rev3A_83] in [0] : vector<16xf32>, vector<16xi32> -> vector<16xf32>
      %select_n3A_85 = arith.select %lt3A_4, %masked_sort3A_51, %rev3A_84 : vector<16xi1>, vector<16xf32>
      %rev3A_86 = arith.constant 15 : i32
      %rev3A_87 = vector.broadcast %rev3A_86 : i32 to vector<16xi32>
      %rev3A_88 = tpu.iota {dimensions = array<i32: 0>} : vector<16xi32>
      %rev3A_89 = arith.subi %rev3A_87, %rev3A_88 : vector<16xi32>
      %rev3A_90 = tpu.dynamic_gather %masked_sort3A_65[%rev3A_89] in [0] : vector<16xi32>, vector<16xi32> -> vector<16xi32>
      %select_n3A_91 = arith.select %lt3A_4, %masked_sort3A_52, %rev3A_90 : vector<16xi1>, vector<16xi32>
      %masked_sort3A_92 = arith.constant dense<true> : vector<16xi1>
      %masked_sort3A_93, %masked_sort3A_94, %masked_sort3A_95 = tpu.sort %select_n3A_85, %select_n3A_91 masked %masked_sort3A_92 {descending = true} : (vector<16xf32>, vector<16xi32>, vector<16xi1>) -> (vector<16xi1>, vector<16xf32>, vector<16xi32>)
      %rev3A_96 = arith.constant 15 : i32
      %rev3A_97 = vector.broadcast %rev3A_96 : i32 to vector<16xi32>
      %rev3A_98 = tpu.iota {dimensions = array<i32: 0>} : vector<16xi32>
      %rev3A_99 = arith.subi %rev3A_97, %rev3A_98 : vector<16xi32>
      %rev3A_100 = tpu.dynamic_gather %masked_sort3A_94[%rev3A_99] in [0] : vector<16xf32>, vector<16xi32> -> vector<16xf32>
      %select_n3A_101 = arith.select %lt3A_4, %masked_sort3A_78, %rev3A_100 : vector<16xi1>, vector<16xf32>
      %rev3A_102 = arith.constant 15 : i32
      %rev3A_103 = vector.broadcast %rev3A_102 : i32 to vector<16xi32>
      %rev3A_104 = tpu.iota {dimensions = array<i32: 0>} : vector<16xi32>
      %rev3A_105 = arith.subi %rev3A_103, %rev3A_104 : vector<16xi32>
      %rev3A_106 = tpu.dynamic_gather %masked_sort3A_95[%rev3A_105] in [0] : vector<16xi32>, vector<16xi32> -> vector<16xi32>
      %select_n3A_107 = arith.select %lt3A_4, %masked_sort3A_79, %rev3A_106 : vector<16xi1>, vector<16xi32>
      %masked_sort3A_108 = arith.constant dense<true> : vector<16xi1>
      %masked_sort3A_109, %masked_sort3A_110, %masked_sort3A_111 = tpu.sort %select_n3A_101, %select_n3A_107 masked %masked_sort3A_108 {descending = true} : (vector<16xf32>, vector<16xi32>, vector<16xi1>) -> (vector<16xi1>, vector<16xf32>, vector<16xi32>)
      %select_n3A_112 = arith.select %lt3A_4, %masked_sort3A_110, %broadcast_in_dim3A_5 : vector<16xi1>, vector<16xf32>
      %reduce_sum3A = arith.constant true
      %reduce_sum3A_113 = vector.broadcast %reduce_sum3A : i1 to vector<16xi1>
      %reduce_sum3A_114 = tpu.scan <sum>, %select_n3A_112 masked %reduce_sum3A_113 : vector<16xf32>, vector<16xi1> -> vector<16xf32>
      %reduce_sum3A_115 = vector.extract %reduce_sum3A_114[15] : f32 from vector<16xf32>
      %div3A = vector.broadcast %reduce_sum3A_115 : f32 to vector<16xf32>
      %div3A_116 = arith.divf %masked_sort3A_110, %div3A : vector<16xf32>
      %mul3A_117 = arith.constant 8 : i32
      %mul3A_118 = arith.muli %scan3A_15, %mul3A_117 : i32
      %swap3A = arith.index_cast %mul3A_118 : i32 to index
      %swap3A_119 = tpu.vector_load %arg6[%swap3A] masked %lt3A_4 {strides = array<i32>} : memref<2704xf32, #tpu.memory_space<vmem>>, vector<16xf32>, vector<16xi1>
      tpu.vector_store %arg6[%swap3A], %div3A_116 masked %lt3A_4 {strides = array<i32>} : memref<2704xf32, #tpu.memory_space<vmem>>, vector<16xf32>, vector<16xi1>
      %mul3A_120 = arith.constant 8 : i32
      %mul3A_121 = arith.muli %scan3A_15, %mul3A_120 : i32
      %swap3A_122 = arith.index_cast %mul3A_121 : i32 to index
      %swap3A_123 = tpu.vector_load %arg7[%swap3A_122] masked %lt3A_4 {strides = array<i32>} : memref<2704xi32, #tpu.memory_space<vmem>>, vector<16xi32>, vector<16xi1>
      tpu.vector_store %arg7[%swap3A_122], %masked_sort3A_111 masked %lt3A_4 {strides = array<i32>} : memref<2704xi32, #tpu.memory_space<vmem>>, vector<16xi32>, vector<16xi1>
    }
    %scan3A_10 = arith.constant 336 : i32
    %mul3A_11 = arith.constant 2688 : i32
    %mul3A_12 = arith.muli %add3A, %mul3A_11 : i32
    "tpu.region"() ({
      %run_scoped3A = tpu.sem_alloc : memref<!tpu.dma_semaphore, #tpu.memory_space<semaphore_mem>>
      %dma_start3A = arith.constant 0 : i32
      %dma_start3A_15 = tpu.memref_slice %arg6[%dma_start3A] : memref<2704xf32, #tpu.memory_space<vmem>> -> memref<2688xf32, #tpu.memory_space<vmem>>
      %dma_start3A_16 = tpu.memref_slice %arg3[%mul3A_12] : memref<86016xf32, #tpu.memory_space<hbm>> -> memref<2688xf32, #tpu.memory_space<hbm>>
      %dma_start3A_17 = tpu.memref_slice %arg3[%mul3A_12] : memref<86016xf32, #tpu.memory_space<hbm>> -> memref<2688xf32, #tpu.memory_space<hbm>>
      %dma_start3A_18 = arith.constant 0 : i32
      %dma_start3A_19 = tpu.memref_slice %arg6[%dma_start3A_18] : memref<2704xf32, #tpu.memory_space<vmem>> -> memref<2688xf32, #tpu.memory_space<vmem>>
      tpu.enqueue_dma source(%dma_start3A_19 : memref<2688xf32, #tpu.memory_space<vmem>>) target(%dma_start3A_17 : memref<2688xf32, #tpu.memory_space<hbm>>) target_semaphore(%run_scoped3A : memref<!tpu.dma_semaphore, #tpu.memory_space<semaphore_mem>>)
      %dma_wait3A = arith.constant 0 : i32
      %dma_wait3A_20 = tpu.memref_slice %arg6[%dma_wait3A] : memref<2704xf32, #tpu.memory_space<vmem>> -> memref<2688xf32, #tpu.memory_space<vmem>>
      %dma_wait3A_21 = tpu.memref_slice %arg3[%mul3A_12] : memref<86016xf32, #tpu.memory_space<hbm>> -> memref<2688xf32, #tpu.memory_space<hbm>>
      %dma_wait3A_22 = tpu.memref_slice %arg3[%mul3A_12] : memref<86016xf32, #tpu.memory_space<hbm>> -> memref<2688xf32, #tpu.memory_space<hbm>>
      %dma_wait3A_23 = arith.constant 0 : i32
      %dma_wait3A_24 = tpu.memref_slice %arg6[%dma_wait3A_23] : memref<2704xf32, #tpu.memory_space<vmem>> -> memref<2688xf32, #tpu.memory_space<vmem>>
      tpu.wait_dma2 semaphore(%run_scoped3A : memref<!tpu.dma_semaphore, #tpu.memory_space<semaphore_mem>>) src(%dma_wait3A_24 : memref<2688xf32, #tpu.memory_space<vmem>>) dst(%dma_wait3A_22 : memref<2688xf32, #tpu.memory_space<hbm>>)
      tpu.yield
    }) : () -> ()
    %mul3A_13 = arith.constant 2688 : i32
    %mul3A_14 = arith.muli %add3A, %mul3A_13 : i32
    "tpu.region"() ({
      %run_scoped3A = tpu.sem_alloc : memref<!tpu.dma_semaphore, #tpu.memory_space<semaphore_mem>>
      %dma_start3A = arith.constant 0 : i32
      %dma_start3A_15 = tpu.memref_slice %arg7[%dma_start3A] : memref<2704xi32, #tpu.memory_space<vmem>> -> memref<2688xi32, #tpu.memory_space<vmem>>
      %dma_start3A_16 = tpu.memref_slice %arg4[%mul3A_14] : memref<86016xi32, #tpu.memory_space<hbm>> -> memref<2688xi32, #tpu.memory_space<hbm>>
      %dma_start3A_17 = tpu.memref_slice %arg4[%mul3A_14] : memref<86016xi32, #tpu.memory_space<hbm>> -> memref<2688xi32, #tpu.memory_space<hbm>>
      %dma_start3A_18 = arith.constant 0 : i32
      %dma_start3A_19 = tpu.memref_slice %arg7[%dma_start3A_18] : memref<2704xi32, #tpu.memory_space<vmem>> -> memref<2688xi32, #tpu.memory_space<vmem>>
      tpu.enqueue_dma source(%dma_start3A_19 : memref<2688xi32, #tpu.memory_space<vmem>>) target(%dma_start3A_17 : memref<2688xi32, #tpu.memory_space<hbm>>) target_semaphore(%run_scoped3A : memref<!tpu.dma_semaphore, #tpu.memory_space<semaphore_mem>>)
      %dma_wait3A = arith.constant 0 : i32
      %dma_wait3A_20 = tpu.memref_slice %arg7[%dma_wait3A] : memref<2704xi32, #tpu.memory_space<vmem>> -> memref<2688xi32, #tpu.memory_space<vmem>>
      %dma_wait3A_21 = tpu.memref_slice %arg4[%mul3A_14] : memref<86016xi32, #tpu.memory_space<hbm>> -> memref<2688xi32, #tpu.memory_space<hbm>>
      %dma_wait3A_22 = tpu.memref_slice %arg4[%mul3A_14] : memref<86016xi32, #tpu.memory_space<hbm>> -> memref<2688xi32, #tpu.memory_space<hbm>>
      %dma_wait3A_23 = arith.constant 0 : i32
      %dma_wait3A_24 = tpu.memref_slice %arg7[%dma_wait3A_23] : memref<2704xi32, #tpu.memory_space<vmem>> -> memref<2688xi32, #tpu.memory_space<vmem>>
      tpu.wait_dma2 semaphore(%run_scoped3A : memref<!tpu.dma_semaphore, #tpu.memory_space<semaphore_mem>>) src(%dma_wait3A_24 : memref<2688xi32, #tpu.memory_space<vmem>>) dst(%dma_wait3A_22 : memref<2688xi32, #tpu.memory_space<hbm>>)
      tpu.yield
    }) : () -> ()
    return
  }
}

#map = affine_map<(d0, d1) -> (0)>
module attributes {stable_mosaic.version = 14 : i64} {
  func.func @topk_kernel(%arg0: i32, %arg1: i32, %arg2: memref<655360xf32, #tpu.memory_space<hbm>>, %arg3: memref<81920xf32, #tpu.memory_space<hbm>>, %arg4: memref<81920xi32, #tpu.memory_space<hbm>>, %arg5: memref<20480xf32, #tpu.memory_space<vmem>>, %arg6: memref<2576xf32, #tpu.memory_space<vmem>>, %arg7: memref<2576xi32, #tpu.memory_space<vmem>>) attributes {dimension_semantics = [#tpu.dimension_semantics<core_parallel>, #tpu.dimension_semantics<subcore_parallel>], iteration_bounds = array<i64: 2, 16>, scalar_prefetch = 0 : i64, scratch_operands = 3 : i64, tpu.core_type = #tpu.core_type<sc_vector_subcore>, window_params = [{transform_indices = #map}, {transform_indices = #map}, {transform_indices = #map}]} {
    %mul3A = arith.constant 2 : i32
    %mul3A_0 = arith.muli %arg1, %mul3A : i32
    %add3A = arith.addi %mul3A_0, %arg0 : i32
    %mul3A_1 = arith.constant 20480 : i32
    %mul3A_2 = arith.muli %add3A, %mul3A_1 : i32
    "tpu.region"() ({
      %run_scoped3A = tpu.sem_alloc : memref<!tpu.dma_semaphore, #tpu.memory_space<semaphore_mem>>
      %dma_start3A = tpu.memref_slice %arg2[%mul3A_2] : memref<655360xf32, #tpu.memory_space<hbm>> -> memref<20480xf32, #tpu.memory_space<hbm>>
      %dma_start3A_15 = tpu.memref_slice %arg2[%mul3A_2] : memref<655360xf32, #tpu.memory_space<hbm>> -> memref<20480xf32, #tpu.memory_space<hbm>>
      tpu.enqueue_dma source(%dma_start3A_15 : memref<20480xf32, #tpu.memory_space<hbm>>) target(%arg5 : memref<20480xf32, #tpu.memory_space<vmem>>) target_semaphore(%run_scoped3A : memref<!tpu.dma_semaphore, #tpu.memory_space<semaphore_mem>>)
      %dma_wait3A = tpu.memref_slice %arg2[%mul3A_2] : memref<655360xf32, #tpu.memory_space<hbm>> -> memref<20480xf32, #tpu.memory_space<hbm>>
      %dma_wait3A_16 = tpu.memref_slice %arg2[%mul3A_2] : memref<655360xf32, #tpu.memory_space<hbm>> -> memref<20480xf32, #tpu.memory_space<hbm>>
      tpu.wait_dma2 semaphore(%run_scoped3A : memref<!tpu.dma_semaphore, #tpu.memory_space<semaphore_mem>>) src(%dma_wait3A_16 : memref<20480xf32, #tpu.memory_space<hbm>>) dst(%arg5 : memref<20480xf32, #tpu.memory_space<vmem>>)
      tpu.yield
    }) : () -> ()
    %iota3A = tpu.iota {dimensions = array<i32: 0>} : vector<16xi32>
    %lt3A = arith.constant 8 : i32
    %lt3A_3 = vector.broadcast %lt3A : i32 to vector<16xi32>
    %lt3A_4 = arith.cmpi slt, %iota3A, %lt3A_3 : vector<16xi32>
    %broadcast_in_dim3A = arith.constant 0.000000e+00 : f32
    %broadcast_in_dim3A_5 = vector.broadcast %broadcast_in_dim3A : f32 to vector<16xf32>
    %scan3A = arith.constant 0 : i32
    %scan3A_6 = arith.constant 0 : i32
    %scan3A_7 = arith.constant 320 : i32
    %scan3A_8 = arith.addi %scan3A_6, %scan3A_7 : i32
    %scan3A_9 = arith.constant 1 : i32
    scf.for %scan3A_15 = %scan3A_6 to %scan3A_8 step %scan3A_9  : i32 {
      %mul3A_16 = arith.constant 64 : i32
      %mul3A_17 = arith.muli %scan3A_15, %mul3A_16 : i32
      %add3A_18 = arith.constant 0 : i32
      %add3A_19 = arith.addi %mul3A_17, %add3A_18 : i32
      %get3A = arith.index_cast %add3A_19 : i32 to index
      %get3A_20 = tpu.vector_load %arg5[%get3A] {strides = array<i32>} : memref<20480xf32, #tpu.memory_space<vmem>>, vector<16xf32>,
      %add3A_21 = arith.constant 0 : i32
      %add3A_22 = vector.broadcast %add3A_21 : i32 to vector<16xi32>
      %add3A_23 = arith.addi %iota3A, %add3A_22 : vector<16xi32>
      %masked_sort3A = arith.constant dense<true> : vector<16xi1>
      %masked_sort3A_24, %masked_sort3A_25, %masked_sort3A_26 = tpu.sort %get3A_20, %add3A_23 masked %masked_sort3A {descending = true} : (vector<16xf32>, vector<16xi32>, vector<16xi1>) -> (vector<16xi1>, vector<16xf32>, vector<16xi32>)
      %mul3A_27 = arith.constant 64 : i32
      %mul3A_28 = arith.muli %scan3A_15, %mul3A_27 : i32
      %add3A_29 = arith.constant 16 : i32
      %add3A_30 = arith.addi %mul3A_28, %add3A_29 : i32
      %get3A_31 = arith.index_cast %add3A_30 : i32 to index
      %get3A_32 = tpu.vector_load %arg5[%get3A_31] {strides = array<i32>} : memref<20480xf32, #tpu.memory_space<vmem>>, vector<16xf32>,
      %add3A_33 = arith.constant 16 : i32
      %add3A_34 = vector.broadcast %add3A_33 : i32 to vector<16xi32>
      %add3A_35 = arith.addi %iota3A, %add3A_34 : vector<16xi32>
      %masked_sort3A_36 = arith.constant dense<true> : vector<16xi1>
      %masked_sort3A_37, %masked_sort3A_38, %masked_sort3A_39 = tpu.sort %get3A_32, %add3A_35 masked %masked_sort3A_36 {descending = true} : (vector<16xf32>, vector<16xi32>, vector<16xi1>) -> (vector<16xi1>, vector<16xf32>, vector<16xi32>)
      %mul3A_40 = arith.constant 64 : i32
      %mul3A_41 = arith.muli %scan3A_15, %mul3A_40 : i32
      %add3A_42 = arith.constant 32 : i32
      %add3A_43 = arith.addi %mul3A_41, %add3A_42 : i32
      %get3A_44 = arith.index_cast %add3A_43 : i32 to index
      %get3A_45 = tpu.vector_load %arg5[%get3A_44] {strides = array<i32>} : memref<20480xf32, #tpu.memory_space<vmem>>, vector<16xf32>,
      %add3A_46 = arith.constant 32 : i32
      %add3A_47 = vector.broadcast %add3A_46 : i32 to vector<16xi32>
      %add3A_48 = arith.addi %iota3A, %add3A_47 : vector<16xi32>
      %masked_sort3A_49 = arith.constant dense<true> : vector<16xi1>
      %masked_sort3A_50, %masked_sort3A_51, %masked_sort3A_52 = tpu.sort %get3A_45, %add3A_48 masked %masked_sort3A_49 {descending = true} : (vector<16xf32>, vector<16xi32>, vector<16xi1>) -> (vector<16xi1>, vector<16xf32>, vector<16xi32>)
      %mul3A_53 = arith.constant 64 : i32
      %mul3A_54 = arith.muli %scan3A_15, %mul3A_53 : i32
      %add3A_55 = arith.constant 48 : i32
      %add3A_56 = arith.addi %mul3A_54, %add3A_55 : i32
      %get3A_57 = arith.index_cast %add3A_56 : i32 to index
      %get3A_58 = tpu.vector_load %arg5[%get3A_57] {strides = array<i32>} : memref<20480xf32, #tpu.memory_space<vmem>>, vector<16xf32>,
      %add3A_59 = arith.constant 48 : i32
      %add3A_60 = vector.broadcast %add3A_59 : i32 to vector<16xi32>
      %add3A_61 = arith.addi %iota3A, %add3A_60 : vector<16xi32>
      %masked_sort3A_62 = arith.constant dense<true> : vector<16xi1>
      %masked_sort3A_63, %masked_sort3A_64, %masked_sort3A_65 = tpu.sort %get3A_58, %add3A_61 masked %masked_sort3A_62 {descending = true} : (vector<16xf32>, vector<16xi32>, vector<16xi1>) -> (vector<16xi1>, vector<16xf32>, vector<16xi32>)
      %rev3A = arith.constant 15 : i32
      %rev3A_66 = vector.broadcast %rev3A : i32 to vector<16xi32>
      %rev3A_67 = tpu.iota {dimensions = array<i32: 0>} : vector<16xi32>
      %rev3A_68 = arith.subi %rev3A_66, %rev3A_67 : vector<16xi32>
      %rev3A_69 = tpu.dynamic_gather %masked_sort3A_38[%rev3A_68] in [0] : vector<16xf32>, vector<16xi32> -> vector<16xf32>
      %select_n3A = arith.select %lt3A_4, %masked_sort3A_25, %rev3A_69 : vector<16xi1>, vector<16xf32>
      %rev3A_70 = arith.constant 15 : i32
      %rev3A_71 = vector.broadcast %rev3A_70 : i32 to vector<16xi32>
      %rev3A_72 = tpu.iota {dimensions = array<i32: 0>} : vector<16xi32>
      %rev3A_73 = arith.subi %rev3A_71, %rev3A_72 : vector<16xi32>
      %rev3A_74 = tpu.dynamic_gather %masked_sort3A_39[%rev3A_73] in [0] : vector<16xi32>, vector<16xi32> -> vector<16xi32>
      %select_n3A_75 = arith.select %lt3A_4, %masked_sort3A_26, %rev3A_74 : vector<16xi1>, vector<16xi32>
      %masked_sort3A_76 = arith.constant dense<true> : vector<16xi1>
      %masked_sort3A_77, %masked_sort3A_78, %masked_sort3A_79 = tpu.sort %select_n3A, %select_n3A_75 masked %masked_sort3A_76 {descending = true} : (vector<16xf32>, vector<16xi32>, vector<16xi1>) -> (vector<16xi1>, vector<16xf32>, vector<16xi32>)
      %rev3A_80 = arith.constant 15 : i32
      %rev3A_81 = vector.broadcast %rev3A_80 : i32 to vector<16xi32>
      %rev3A_82 = tpu.iota {dimensions = array<i32: 0>} : vector<16xi32>
      %rev3A_83 = arith.subi %rev3A_81, %rev3A_82 : vector<16xi32>
      %rev3A_84 = tpu.dynamic_gather %masked_sort3A_64[%rev3A_83] in [0] : vector<16xf32>, vector<16xi32> -> vector<16xf32>
      %select_n3A_85 = arith.select %lt3A_4, %masked_sort3A_51, %rev3A_84 : vector<16xi1>, vector<16xf32>
      %rev3A_86 = arith.constant 15 : i32
      %rev3A_87 = vector.broadcast %rev3A_86 : i32 to vector<16xi32>
      %rev3A_88 = tpu.iota {dimensions = array<i32: 0>} : vector<16xi32>
      %rev3A_89 = arith.subi %rev3A_87, %rev3A_88 : vector<16xi32>
      %rev3A_90 = tpu.dynamic_gather %masked_sort3A_65[%rev3A_89] in [0] : vector<16xi32>, vector<16xi32> -> vector<16xi32>
      %select_n3A_91 = arith.select %lt3A_4, %masked_sort3A_52, %rev3A_90 : vector<16xi1>, vector<16xi32>
      %masked_sort3A_92 = arith.constant dense<true> : vector<16xi1>
      %masked_sort3A_93, %masked_sort3A_94, %masked_sort3A_95 = tpu.sort %select_n3A_85, %select_n3A_91 masked %masked_sort3A_92 {descending = true} : (vector<16xf32>, vector<16xi32>, vector<16xi1>) -> (vector<16xi1>, vector<16xf32>, vector<16xi32>)
      %rev3A_96 = arith.constant 15 : i32
      %rev3A_97 = vector.broadcast %rev3A_96 : i32 to vector<16xi32>
      %rev3A_98 = tpu.iota {dimensions = array<i32: 0>} : vector<16xi32>
      %rev3A_99 = arith.subi %rev3A_97, %rev3A_98 : vector<16xi32>
      %rev3A_100 = tpu.dynamic_gather %masked_sort3A_94[%rev3A_99] in [0] : vector<16xf32>, vector<16xi32> -> vector<16xf32>
      %select_n3A_101 = arith.select %lt3A_4, %masked_sort3A_78, %rev3A_100 : vector<16xi1>, vector<16xf32>
      %rev3A_102 = arith.constant 15 : i32
      %rev3A_103 = vector.broadcast %rev3A_102 : i32 to vector<16xi32>
      %rev3A_104 = tpu.iota {dimensions = array<i32: 0>} : vector<16xi32>
      %rev3A_105 = arith.subi %rev3A_103, %rev3A_104 : vector<16xi32>
      %rev3A_106 = tpu.dynamic_gather %masked_sort3A_95[%rev3A_105] in [0] : vector<16xi32>, vector<16xi32> -> vector<16xi32>
      %select_n3A_107 = arith.select %lt3A_4, %masked_sort3A_79, %rev3A_106 : vector<16xi1>, vector<16xi32>
      %masked_sort3A_108 = arith.constant dense<true> : vector<16xi1>
      %masked_sort3A_109, %masked_sort3A_110, %masked_sort3A_111 = tpu.sort %select_n3A_101, %select_n3A_107 masked %masked_sort3A_108 {descending = true} : (vector<16xf32>, vector<16xi32>, vector<16xi1>) -> (vector<16xi1>, vector<16xf32>, vector<16xi32>)
      %select_n3A_112 = arith.select %lt3A_4, %masked_sort3A_110, %broadcast_in_dim3A_5 : vector<16xi1>, vector<16xf32>
      %reduce_sum3A = arith.constant true
      %reduce_sum3A_113 = vector.broadcast %reduce_sum3A : i1 to vector<16xi1>
      %reduce_sum3A_114 = tpu.scan <sum>, %select_n3A_112 masked %reduce_sum3A_113 : vector<16xf32>, vector<16xi1> -> vector<16xf32>
      %reduce_sum3A_115 = vector.extract %reduce_sum3A_114[15] : f32 from vector<16xf32>
      %div3A = vector.broadcast %reduce_sum3A_115 : f32 to vector<16xf32>
      %div3A_116 = arith.divf %masked_sort3A_110, %div3A : vector<16xf32>
      %mul3A_117 = arith.constant 8 : i32
      %mul3A_118 = arith.muli %scan3A_15, %mul3A_117 : i32
      %swap3A = arith.index_cast %mul3A_118 : i32 to index
      %swap3A_119 = tpu.vector_load %arg6[%swap3A] masked %lt3A_4 {strides = array<i32>} : memref<2576xf32, #tpu.memory_space<vmem>>, vector<16xf32>, vector<16xi1>
      tpu.vector_store %arg6[%swap3A], %div3A_116 masked %lt3A_4 {strides = array<i32>} : memref<2576xf32, #tpu.memory_space<vmem>>, vector<16xf32>, vector<16xi1>
      %mul3A_120 = arith.constant 8 : i32
      %mul3A_121 = arith.muli %scan3A_15, %mul3A_120 : i32
      %swap3A_122 = arith.index_cast %mul3A_121 : i32 to index
      %swap3A_123 = tpu.vector_load %arg7[%swap3A_122] masked %lt3A_4 {strides = array<i32>} : memref<2576xi32, #tpu.memory_space<vmem>>, vector<16xi32>, vector<16xi1>
      tpu.vector_store %arg7[%swap3A_122], %masked_sort3A_111 masked %lt3A_4 {strides = array<i32>} : memref<2576xi32, #tpu.memory_space<vmem>>, vector<16xi32>, vector<16xi1>
    }
    %scan3A_10 = arith.constant 320 : i32
    %mul3A_11 = arith.constant 2560 : i32
    %mul3A_12 = arith.muli %add3A, %mul3A_11 : i32
    "tpu.region"() ({
      %run_scoped3A = tpu.sem_alloc : memref<!tpu.dma_semaphore, #tpu.memory_space<semaphore_mem>>
      %dma_start3A = arith.constant 0 : i32
      %dma_start3A_15 = tpu.memref_slice %arg6[%dma_start3A] : memref<2576xf32, #tpu.memory_space<vmem>> -> memref<2560xf32, #tpu.memory_space<vmem>>
      %dma_start3A_16 = tpu.memref_slice %arg3[%mul3A_12] : memref<81920xf32, #tpu.memory_space<hbm>> -> memref<2560xf32, #tpu.memory_space<hbm>>
      %dma_start3A_17 = tpu.memref_slice %arg3[%mul3A_12] : memref<81920xf32, #tpu.memory_space<hbm>> -> memref<2560xf32, #tpu.memory_space<hbm>>
      %dma_start3A_18 = arith.constant 0 : i32
      %dma_start3A_19 = tpu.memref_slice %arg6[%dma_start3A_18] : memref<2576xf32, #tpu.memory_space<vmem>> -> memref<2560xf32, #tpu.memory_space<vmem>>
      tpu.enqueue_dma source(%dma_start3A_19 : memref<2560xf32, #tpu.memory_space<vmem>>) target(%dma_start3A_17 : memref<2560xf32, #tpu.memory_space<hbm>>) target_semaphore(%run_scoped3A : memref<!tpu.dma_semaphore, #tpu.memory_space<semaphore_mem>>)
      %dma_wait3A = arith.constant 0 : i32
      %dma_wait3A_20 = tpu.memref_slice %arg6[%dma_wait3A] : memref<2576xf32, #tpu.memory_space<vmem>> -> memref<2560xf32, #tpu.memory_space<vmem>>
      %dma_wait3A_21 = tpu.memref_slice %arg3[%mul3A_12] : memref<81920xf32, #tpu.memory_space<hbm>> -> memref<2560xf32, #tpu.memory_space<hbm>>
      %dma_wait3A_22 = tpu.memref_slice %arg3[%mul3A_12] : memref<81920xf32, #tpu.memory_space<hbm>> -> memref<2560xf32, #tpu.memory_space<hbm>>
      %dma_wait3A_23 = arith.constant 0 : i32
      %dma_wait3A_24 = tpu.memref_slice %arg6[%dma_wait3A_23] : memref<2576xf32, #tpu.memory_space<vmem>> -> memref<2560xf32, #tpu.memory_space<vmem>>
      tpu.wait_dma2 semaphore(%run_scoped3A : memref<!tpu.dma_semaphore, #tpu.memory_space<semaphore_mem>>) src(%dma_wait3A_24 : memref<2560xf32, #tpu.memory_space<vmem>>) dst(%dma_wait3A_22 : memref<2560xf32, #tpu.memory_space<hbm>>)
      tpu.yield
    }) : () -> ()
    %mul3A_13 = arith.constant 2560 : i32
    %mul3A_14 = arith.muli %add3A, %mul3A_13 : i32
    "tpu.region"() ({
      %run_scoped3A = tpu.sem_alloc : memref<!tpu.dma_semaphore, #tpu.memory_space<semaphore_mem>>
      %dma_start3A = arith.constant 0 : i32
      %dma_start3A_15 = tpu.memref_slice %arg7[%dma_start3A] : memref<2576xi32, #tpu.memory_space<vmem>> -> memref<2560xi32, #tpu.memory_space<vmem>>
      %dma_start3A_16 = tpu.memref_slice %arg4[%mul3A_14] : memref<81920xi32, #tpu.memory_space<hbm>> -> memref<2560xi32, #tpu.memory_space<hbm>>
      %dma_start3A_17 = tpu.memref_slice %arg4[%mul3A_14] : memref<81920xi32, #tpu.memory_space<hbm>> -> memref<2560xi32, #tpu.memory_space<hbm>>
      %dma_start3A_18 = arith.constant 0 : i32
      %dma_start3A_19 = tpu.memref_slice %arg7[%dma_start3A_18] : memref<2576xi32, #tpu.memory_space<vmem>> -> memref<2560xi32, #tpu.memory_space<vmem>>
      tpu.enqueue_dma source(%dma_start3A_19 : memref<2560xi32, #tpu.memory_space<vmem>>) target(%dma_start3A_17 : memref<2560xi32, #tpu.memory_space<hbm>>) target_semaphore(%run_scoped3A : memref<!tpu.dma_semaphore, #tpu.memory_space<semaphore_mem>>)
      %dma_wait3A = arith.constant 0 : i32
      %dma_wait3A_20 = tpu.memref_slice %arg7[%dma_wait3A] : memref<2576xi32, #tpu.memory_space<vmem>> -> memref<2560xi32, #tpu.memory_space<vmem>>
      %dma_wait3A_21 = tpu.memref_slice %arg4[%mul3A_14] : memref<81920xi32, #tpu.memory_space<hbm>> -> memref<2560xi32, #tpu.memory_space<hbm>>
      %dma_wait3A_22 = tpu.memref_slice %arg4[%mul3A_14] : memref<81920xi32, #tpu.memory_space<hbm>> -> memref<2560xi32, #tpu.memory_space<hbm>>
      %dma_wait3A_23 = arith.constant 0 : i32
      %dma_wait3A_24 = tpu.memref_slice %arg7[%dma_wait3A_23] : memref<2576xi32, #tpu.memory_space<vmem>> -> memref<2560xi32, #tpu.memory_space<vmem>>
      tpu.wait_dma2 semaphore(%run_scoped3A : memref<!tpu.dma_semaphore, #tpu.memory_space<semaphore_mem>>) src(%dma_wait3A_24 : memref<2560xi32, #tpu.memory_space<vmem>>) dst(%dma_wait3A_22 : memref<2560xi32, #tpu.memory_space<hbm>>)
      tpu.yield
    }) : () -> ()
    return
  }
}

module attributes {stable_mosaic.version = 14 : i64} {
  func.func @_router_scores_body(%arg0: i32, %arg1: memref<512x4096xf32, #tpu.memory_space<vmem>>, %arg2: memref<64x4096xf32, #tpu.memory_space<vmem>>, %arg3: memref<512x64xf32, #tpu.memory_space<vmem>>) attributes {dimension_semantics = [#tpu.dimension_semantics<parallel>], iteration_bounds = array<i64: 21>, scalar_prefetch = 0 : i64, scratch_operands = 0 : i64, tpu.core_type = #tpu.core_type<tc>, window_params = [{transform_indices = @transform_0, window_bounds = array<i64: 512, 4096>}, {pipeline_mode = #tpu.pipeline_mode<synchronous>, transform_indices = @transform_1, window_bounds = array<i64: 64, 4096>}, {transform_indices = @transform_2, window_bounds = array<i64: 512, 64>}]} {
    %get3A = arith.constant 0 : index
    %get3A_0 = arith.constant 0 : index
    %get3A_1 = vector.load %arg1[%get3A, %get3A_0] : memref<512x4096xf32, #tpu.memory_space<vmem>>, vector<512x4096xf32>
    %get3A_2 = arith.constant 0 : index
    %get3A_3 = arith.constant 0 : index
    %get3A_4 = vector.load %arg2[%get3A_2, %get3A_3] : memref<64x4096xf32, #tpu.memory_space<vmem>>, vector<64x4096xf32>
    %dot_general3A = arith.constant dense<0.000000e+00> : vector<512x64xf32>
    %dot_general3A_5 = tpu.matmul %get3A_1, %get3A_4, %dot_general3A {dimension_numbers = #tpu.dot_dimension_numbers<[1], [1], [0], [0], [0, 0, 1, 0], [], []>, transpose_lhs_hint = false} : vector<512x4096xf32>, vector<64x4096xf32>, vector<512x64xf32> -> vector<512x64xf32>
    %reduce_max3A = arith.constant dense<0xFF800000> : vector<512xf32>
    %reduce_max3A_6 = vector.multi_reduction <maximumf>, %dot_general3A_5, %reduce_max3A [1] : vector<512x64xf32> to vector<512xf32>
    %broadcast_in_dim3A = vector.shape_cast %reduce_max3A_6 : vector<512xf32> to vector<512x1xf32>
    %sub3A = vector.broadcast %broadcast_in_dim3A : vector<512x1xf32> to vector<512x64xf32>
    %sub3A_7 = arith.subf %dot_general3A_5, %sub3A : vector<512x64xf32>
    %exp3A = math.exp %sub3A_7 : vector<512x64xf32>
    %reduce_sum3A = arith.constant dense<0.000000e+00> : vector<512xf32>
    %reduce_sum3A_8 = vector.multi_reduction <add>, %exp3A, %reduce_sum3A [1] : vector<512x64xf32> to vector<512xf32>
    %broadcast_in_dim3A_9 = vector.shape_cast %reduce_sum3A_8 : vector<512xf32> to vector<512x1xf32>
    %div3A = vector.broadcast %broadcast_in_dim3A_9 : vector<512x1xf32> to vector<512x64xf32>
    %div3A_10 = arith.divf %exp3A, %div3A : vector<512x64xf32>
    %swap3A = arith.constant 0 : index
    %swap3A_11 = arith.constant 0 : index
    %swap3A_12 = vector.load %arg3[%swap3A, %swap3A_11] : memref<512x64xf32, #tpu.memory_space<vmem>>, vector<512x64xf32>
    tpu.vector_store %arg3[%swap3A, %swap3A_11], %div3A_10 {strides = array<i32>} : memref<512x64xf32, #tpu.memory_space<vmem>>, vector<512x64xf32>,
    return
  }
  func.func @transform_0(%arg0: i32) -> (i32, i32) {
    %add3A = arith.constant 0 : i32
    %add3A_0 = arith.addi %add3A, %arg0 : i32
    %c0_i32 = arith.constant 0 : i32
    %c0_i32_1 = arith.constant 0 : i32
    return %add3A_0, %c0_i32 : i32, i32
  }
  func.func @transform_1(%arg0: i32) -> (i32, i32) {
    %c0_i32 = arith.constant 0 : i32
    %c0_i32_0 = arith.constant 0 : i32
    %c0_i32_1 = arith.constant 0 : i32
    return %c0_i32, %c0_i32_0 : i32, i32
  }
  func.func @transform_2(%arg0: i32) -> (i32, i32) {
    %c0_i32 = arith.constant 0 : i32
    %c0_i32_0 = arith.constant 0 : i32
    return %arg0, %c0_i32 : i32, i32
  }
}

module attributes {stable_mosaic.version = 14 : i64} {
  func.func @_router_scores_body(%arg0: i32, %arg1: memref<512x4096xf32, #tpu.memory_space<vmem>>, %arg2: memref<64x4096xf32, #tpu.memory_space<vmem>>, %arg3: memref<512x64xf32, #tpu.memory_space<vmem>>) attributes {dimension_semantics = [#tpu.dimension_semantics<parallel>], iteration_bounds = array<i64: 21>, scalar_prefetch = 0 : i64, scratch_operands = 0 : i64, tpu.core_type = #tpu.core_type<tc>, window_params = [{transform_indices = @transform_0, window_bounds = array<i64: 512, 4096>}, {pipeline_mode = #tpu.pipeline_mode<synchronous>, transform_indices = @transform_1, window_bounds = array<i64: 64, 4096>}, {transform_indices = @transform_2, window_bounds = array<i64: 512, 64>}]} {
    %get3A = arith.constant 0 : index
    %get3A_0 = arith.constant 0 : index
    %get3A_1 = vector.load %arg1[%get3A, %get3A_0] : memref<512x4096xf32, #tpu.memory_space<vmem>>, vector<512x4096xf32>
    %get3A_2 = arith.constant 0 : index
    %get3A_3 = arith.constant 0 : index
    %get3A_4 = vector.load %arg2[%get3A_2, %get3A_3] : memref<64x4096xf32, #tpu.memory_space<vmem>>, vector<64x4096xf32>
    %dot_general3A = arith.constant dense<0.000000e+00> : vector<512x64xf32>
    %dot_general3A_5 = tpu.matmul %get3A_1, %get3A_4, %dot_general3A {dimension_numbers = #tpu.dot_dimension_numbers<[1], [1], [0], [0], [0, 0, 1, 0], [], []>, transpose_lhs_hint = false} : vector<512x4096xf32>, vector<64x4096xf32>, vector<512x64xf32> -> vector<512x64xf32>
    %reduce_max3A = arith.constant dense<0xFF800000> : vector<512xf32>
    %reduce_max3A_6 = vector.multi_reduction <maximumf>, %dot_general3A_5, %reduce_max3A [1] : vector<512x64xf32> to vector<512xf32>
    %broadcast_in_dim3A = vector.shape_cast %reduce_max3A_6 : vector<512xf32> to vector<512x1xf32>
    %sub3A = vector.broadcast %broadcast_in_dim3A : vector<512x1xf32> to vector<512x64xf32>
    %sub3A_7 = arith.subf %dot_general3A_5, %sub3A : vector<512x64xf32>
    %exp3A = math.exp %sub3A_7 : vector<512x64xf32>
    %reduce_sum3A = arith.constant dense<0.000000e+00> : vector<512xf32>
    %reduce_sum3A_8 = vector.multi_reduction <add>, %exp3A, %reduce_sum3A [1] : vector<512x64xf32> to vector<512xf32>
    %broadcast_in_dim3A_9 = vector.shape_cast %reduce_sum3A_8 : vector<512xf32> to vector<512x1xf32>
    %div3A = vector.broadcast %broadcast_in_dim3A_9 : vector<512x1xf32> to vector<512x64xf32>
    %div3A_10 = arith.divf %exp3A, %div3A : vector<512x64xf32>
    %swap3A = arith.constant 0 : index
    %swap3A_11 = arith.constant 0 : index
    %swap3A_12 = vector.load %arg3[%swap3A, %swap3A_11] : memref<512x64xf32, #tpu.memory_space<vmem>>, vector<512x64xf32>
    tpu.vector_store %arg3[%swap3A, %swap3A_11], %div3A_10 {strides = array<i32>} : memref<512x64xf32, #tpu.memory_space<vmem>>, vector<512x64xf32>,
    return
  }
  func.func @transform_0(%arg0: i32) -> (i32, i32) {
    %add3A = arith.constant 21 : i32
    %add3A_0 = arith.addi %add3A, %arg0 : i32
    %c0_i32 = arith.constant 0 : i32
    %c0_i32_1 = arith.constant 0 : i32
    return %add3A_0, %c0_i32 : i32, i32
  }
  func.func @transform_1(%arg0: i32) -> (i32, i32) {
    %c0_i32 = arith.constant 0 : i32
    %c0_i32_0 = arith.constant 0 : i32
    %c0_i32_1 = arith.constant 0 : i32
    return %c0_i32, %c0_i32_0 : i32, i32
  }
  func.func @transform_2(%arg0: i32) -> (i32, i32) {
    %c0_i32 = arith.constant 0 : i32
    %c0_i32_0 = arith.constant 0 : i32
    return %arg0, %c0_i32 : i32, i32
  }
}

module attributes {stable_mosaic.version = 14 : i64} {
  func.func @_router_scores_body(%arg0: i32, %arg1: memref<512x4096xf32, #tpu.memory_space<vmem>>, %arg2: memref<64x4096xf32, #tpu.memory_space<vmem>>, %arg3: memref<512x64xf32, #tpu.memory_space<vmem>>) attributes {dimension_semantics = [#tpu.dimension_semantics<parallel>], iteration_bounds = array<i64: 20>, scalar_prefetch = 0 : i64, scratch_operands = 0 : i64, tpu.core_type = #tpu.core_type<tc>, window_params = [{transform_indices = @transform_0, window_bounds = array<i64: 512, 4096>}, {pipeline_mode = #tpu.pipeline_mode<synchronous>, transform_indices = @transform_1, window_bounds = array<i64: 64, 4096>}, {transform_indices = @transform_2, window_bounds = array<i64: 512, 64>}]} {
    %get3A = arith.constant 0 : index
    %get3A_0 = arith.constant 0 : index
    %get3A_1 = vector.load %arg1[%get3A, %get3A_0] : memref<512x4096xf32, #tpu.memory_space<vmem>>, vector<512x4096xf32>
    %get3A_2 = arith.constant 0 : index
    %get3A_3 = arith.constant 0 : index
    %get3A_4 = vector.load %arg2[%get3A_2, %get3A_3] : memref<64x4096xf32, #tpu.memory_space<vmem>>, vector<64x4096xf32>
    %dot_general3A = arith.constant dense<0.000000e+00> : vector<512x64xf32>
    %dot_general3A_5 = tpu.matmul %get3A_1, %get3A_4, %dot_general3A {dimension_numbers = #tpu.dot_dimension_numbers<[1], [1], [0], [0], [0, 0, 1, 0], [], []>, transpose_lhs_hint = false} : vector<512x4096xf32>, vector<64x4096xf32>, vector<512x64xf32> -> vector<512x64xf32>
    %reduce_max3A = arith.constant dense<0xFF800000> : vector<512xf32>
    %reduce_max3A_6 = vector.multi_reduction <maximumf>, %dot_general3A_5, %reduce_max3A [1] : vector<512x64xf32> to vector<512xf32>
    %broadcast_in_dim3A = vector.shape_cast %reduce_max3A_6 : vector<512xf32> to vector<512x1xf32>
    %sub3A = vector.broadcast %broadcast_in_dim3A : vector<512x1xf32> to vector<512x64xf32>
    %sub3A_7 = arith.subf %dot_general3A_5, %sub3A : vector<512x64xf32>
    %exp3A = math.exp %sub3A_7 : vector<512x64xf32>
    %reduce_sum3A = arith.constant dense<0.000000e+00> : vector<512xf32>
    %reduce_sum3A_8 = vector.multi_reduction <add>, %exp3A, %reduce_sum3A [1] : vector<512x64xf32> to vector<512xf32>
    %broadcast_in_dim3A_9 = vector.shape_cast %reduce_sum3A_8 : vector<512xf32> to vector<512x1xf32>
    %div3A = vector.broadcast %broadcast_in_dim3A_9 : vector<512x1xf32> to vector<512x64xf32>
    %div3A_10 = arith.divf %exp3A, %div3A : vector<512x64xf32>
    %swap3A = arith.constant 0 : index
    %swap3A_11 = arith.constant 0 : index
    %swap3A_12 = vector.load %arg3[%swap3A, %swap3A_11] : memref<512x64xf32, #tpu.memory_space<vmem>>, vector<512x64xf32>
    tpu.vector_store %arg3[%swap3A, %swap3A_11], %div3A_10 {strides = array<i32>} : memref<512x64xf32, #tpu.memory_space<vmem>>, vector<512x64xf32>,
    return
  }
  func.func @transform_0(%arg0: i32) -> (i32, i32) {
    %add3A = arith.constant 42 : i32
    %add3A_0 = arith.addi %add3A, %arg0 : i32
    %c0_i32 = arith.constant 0 : i32
    %c0_i32_1 = arith.constant 0 : i32
    return %add3A_0, %c0_i32 : i32, i32
  }
  func.func @transform_1(%arg0: i32) -> (i32, i32) {
    %c0_i32 = arith.constant 0 : i32
    %c0_i32_0 = arith.constant 0 : i32
    %c0_i32_1 = arith.constant 0 : i32
    return %c0_i32, %c0_i32_0 : i32, i32
  }
  func.func @transform_2(%arg0: i32) -> (i32, i32) {
    %c0_i32 = arith.constant 0 : i32
    %c0_i32_0 = arith.constant 0 : i32
    return %arg0, %c0_i32 : i32, i32
  }
}

module attributes {stable_mosaic.version = 14 : i64} {
  func.func @_router_scores_body(%arg0: i32, %arg1: memref<512x4096xf32, #tpu.memory_space<vmem>>, %arg2: memref<64x4096xf32, #tpu.memory_space<vmem>>, %arg3: memref<512x64xf32, #tpu.memory_space<vmem>>) attributes {dimension_semantics = [#tpu.dimension_semantics<parallel>], iteration_bounds = array<i64: 2>, scalar_prefetch = 0 : i64, scratch_operands = 0 : i64, tpu.core_type = #tpu.core_type<tc>, window_params = [{transform_indices = @transform_0, window_bounds = array<i64: 512, 4096>}, {pipeline_mode = #tpu.pipeline_mode<synchronous>, transform_indices = @transform_1, window_bounds = array<i64: 64, 4096>}, {transform_indices = @transform_2, window_bounds = array<i64: 512, 64>}]} {
    %get3A = arith.constant 0 : index
    %get3A_0 = arith.constant 0 : index
    %get3A_1 = vector.load %arg1[%get3A, %get3A_0] : memref<512x4096xf32, #tpu.memory_space<vmem>>, vector<512x4096xf32>
    %get3A_2 = arith.constant 0 : index
    %get3A_3 = arith.constant 0 : index
    %get3A_4 = vector.load %arg2[%get3A_2, %get3A_3] : memref<64x4096xf32, #tpu.memory_space<vmem>>, vector<64x4096xf32>
    %dot_general3A = arith.constant dense<0.000000e+00> : vector<512x64xf32>
    %dot_general3A_5 = tpu.matmul %get3A_1, %get3A_4, %dot_general3A {dimension_numbers = #tpu.dot_dimension_numbers<[1], [1], [0], [0], [0, 0, 1, 0], [], []>, transpose_lhs_hint = false} : vector<512x4096xf32>, vector<64x4096xf32>, vector<512x64xf32> -> vector<512x64xf32>
    %reduce_max3A = arith.constant dense<0xFF800000> : vector<512xf32>
    %reduce_max3A_6 = vector.multi_reduction <maximumf>, %dot_general3A_5, %reduce_max3A [1] : vector<512x64xf32> to vector<512xf32>
    %broadcast_in_dim3A = vector.shape_cast %reduce_max3A_6 : vector<512xf32> to vector<512x1xf32>
    %sub3A = vector.broadcast %broadcast_in_dim3A : vector<512x1xf32> to vector<512x64xf32>
    %sub3A_7 = arith.subf %dot_general3A_5, %sub3A : vector<512x64xf32>
    %exp3A = math.exp %sub3A_7 : vector<512x64xf32>
    %reduce_sum3A = arith.constant dense<0.000000e+00> : vector<512xf32>
    %reduce_sum3A_8 = vector.multi_reduction <add>, %exp3A, %reduce_sum3A [1] : vector<512x64xf32> to vector<512xf32>
    %broadcast_in_dim3A_9 = vector.shape_cast %reduce_sum3A_8 : vector<512xf32> to vector<512x1xf32>
    %div3A = vector.broadcast %broadcast_in_dim3A_9 : vector<512x1xf32> to vector<512x64xf32>
    %div3A_10 = arith.divf %exp3A, %div3A : vector<512x64xf32>
    %swap3A = arith.constant 0 : index
    %swap3A_11 = arith.constant 0 : index
    %swap3A_12 = vector.load %arg3[%swap3A, %swap3A_11] : memref<512x64xf32, #tpu.memory_space<vmem>>, vector<512x64xf32>
    tpu.vector_store %arg3[%swap3A, %swap3A_11], %div3A_10 {strides = array<i32>} : memref<512x64xf32, #tpu.memory_space<vmem>>, vector<512x64xf32>,
    return
  }
  func.func @transform_0(%arg0: i32) -> (i32, i32) {
    %add3A = arith.constant 62 : i32
    %add3A_0 = arith.addi %add3A, %arg0 : i32
    %c0_i32 = arith.constant 0 : i32
    %c0_i32_1 = arith.constant 0 : i32
    return %add3A_0, %c0_i32 : i32, i32
  }
  func.func @transform_1(%arg0: i32) -> (i32, i32) {
    %c0_i32 = arith.constant 0 : i32
    %c0_i32_0 = arith.constant 0 : i32
    %c0_i32_1 = arith.constant 0 : i32
    return %c0_i32, %c0_i32_0 : i32, i32
  }
  func.func @transform_2(%arg0: i32) -> (i32, i32) {
    %c0_i32 = arith.constant 0 : i32
    %c0_i32_0 = arith.constant 0 : i32
    return %arg0, %c0_i32 : i32, i32
  }
}

</mosaic_0001>

<sc_bundles>
// kernel: kernel.10.cloned.1.call-start
scs
__scs_entry_jumppad:
0x0: {  	(pc) =	sbr.rel $0x88, $3  }
0x1: {  	(tag) =	ssettag $0x0;
	lr =	simm.s32 $0x1  }
0x2: {  	[smem:$0x3F9F] =	sst lr;
	_ =	strace $0xD0000000  }
0x3: {  	_ = 	snop  }
0x4: {  	_ = 	snop  }
0x5: {  	_ = 	snop  }
0x6: {  	_ = 	snop  }
0x7: {  	_ = 	snop  }
__scs_overlays_trampoline_lowered:
0x8: {  	[smem:$0x3FAE] =	sst s0  }
0x9: {  	[smem:$0x3FAF] =	sst s1  }
0xa: {  	[smem:$0x3FB0] =	sst s2  }
0xb: {  	[smem:$0x3FB1] =	sst s3  }
0xc: {  	[smem:$0x3FB2] =	sst s4  }
0xd: {  	[smem:$0x3FB3] =	sst s5  }
0xe: {  	[smem:$0x3FB4] =	sst s6  }
0xf: {  	[smem:$0x3FB5] =	sst s7  }
0x10: {  	[smem:$0x3FB6] =	sst s8  }
0x11: {  	[smem:$0x3FB7] =	sst s9;
	s0 =	simm.s32 @!p0 $0x0  }
0x12: {  	s1 =	sld [smem:$0x3F9D];
	s0 =	simm.s32 @p0 $0x1  }
0x13: {  	[smem:$0x3FB8] =	sst s0;
	s0 =	simm.s32 @!p1 $0x0  }
0x14: {  	s2 =	sld [smem:$0x3F9C];
	s0 =	simm.s32 @p1 $0x1  }
0x15: {  	[smem:$0x3FB9] =	sst s0;
	s0 =	simm.s32 @!p2 $0x0  }
0x16: {  	s3 =	sld [smem:$0x3FDB];
	s0 =	simm.s32 @p2 $0x1  }
0x17: {  	s4 =	simm.s32 $0x1BF5;
	[smem:$0x3FBB] =	sst s0  }
0x18: {  	s0 =	sld [smem:$0x3F9E];
	_ =	swait.ge [sflag:s4], $0x0  }
0x19: {  	s7 =	sld [smem:$0x3F9F]  }
0x1a: {  	s8 =	sadd.s32 $0xFFFFE003, lr  }
0x1b: {  	s9 =	sadd.s32 $0xFFFFFEF7, lr;
	s5 =	simm.s32 $0xFFFFFFFF;
	p2 =	slt.u32 s8, $0xFFFFF086  }
0x1c: {  	p1 =	slt.u32 s9, $0xF7A;
	s5 =	simm.s32 @!p2 $0x0  }
0x1d: {  	s5 =	simm.s32 @p1 $0x1;
	p0 =	seq.s32 s7, s2  }
0x1e: {  	s7 =	smul.u32 @!p0 $0xF7A, s2;
	p2 =	seq.s32 @!p0 s5, $0x0  }
0x1f: {  	s9 =	smul.u32 $0xF7A, s1;
	s8 =	simm.s32 @!p0 $0x1BF5;
	p2 =	por !p2, p0  }
0x20: {  	[sflag:s8] =	ssyncset.s32 @!p0 $0xFFFFF086;
	s6 =	sadd.s32 @!p0 s3, s7;
	s7 =	simm.s32 @!p0 $0x108  }
0x21: {  	s3 =	sadd.s32 s3, s9;
	s6 =	sadd.s32 @!p0 $0x88, s6;
	s7 =	simm.s32 @p2 $0x1082  }
0x22: {  	[simem:s7], [sflag:s8] =	dma.local @!p0 [hbm:s6], $0xF7A  }
0x23: {  	s9 =	sor.u32 $0xD0000000, s2;
	s6 =	simm.s32 $0x108;
	_ =	swait.ge @!p0 [sflag:s8], $0x0  }
0x24: {  	s3 =	sadd.s32 $0x88, s3;
	s6 =	simm.s32 @!p1 $0x1082;
	[sflag:s4] =	ssyncset.s32 $0xFFFFF086  }
0x25: {  	[simem:s6], [sflag:s4] =	dma.local [hbm:s3], $0xF7A  }
0x26: {  	[smem:$0x3F9F] =	sst s1;
	(tag) =	ssettag s2;
	_ =	strace s9  }
0x27: {  	s1 =	sld [smem:$0x3FAF]  }
0x28: {  	s2 =	sld [smem:$0x3FB0]  }
0x29: {  	s4 =	sld [smem:$0x3FB2]  }
0x2a: {  	p0 =	seq.s32 s5, $0x0;
	s5 =	sld [smem:$0x3FB3]  }
0x2b: {  	s6 =	sld [smem:$0x3FB4]  }
0x2c: {  	s7 =	sld [smem:$0x3FB5]  }
0x2d: {  	s3 =	simm.s32 $0x108;
	s8 =	sld [smem:$0x3FB6]  }
0x2e: {  	s3 =	simm.s32 @!p0 $0x1082;
	s9 =	sld [smem:$0x3FB7]  }
0x2f: {  	lr =	sadd.s32 s0, s3;
	s0 =	sld [smem:$0x3FAE]  }
0x30: {  	s3 =	sld [smem:$0x3FB1]  }
0x31: {  	[smem:$0x3FBA] =	sst s10  }
0x32: {  	s10 =	sld [smem:$0x3FB8];
	_ =	sdelay $0x3  }
0x33: {  	p0 =	seq.s32 s10, $0x1;
	s10 =	sld [smem:$0x3FBA];
	_ =	sdelay $0x3  }
0x34: {  	[smem:$0x3FBA] =	sst s10  }
0x35: {  	s10 =	sld [smem:$0x3FB9];
	_ =	sdelay $0x3  }
0x36: {  	p1 =	seq.s32 s10, $0x1;
	s10 =	sld [smem:$0x3FBA];
	_ =	sdelay $0x3  }
0x37: {  	[smem:$0x3FBA] =	sst s10  }
0x38: {  	s10 =	sld [smem:$0x3FBB]  }
0x39: {  	_ = 	snop;
	(pc) =	sbr.ind lr, $3  }
0x3a: {  	_ = 	snop  }
0x3b: {  	_ = 	snop  }
0x3c: {  	p2 =	seq.s32 s10, $0x1;
	s10 =	sld [smem:$0x3FBA]  }
0x3d: {  	_ =	shalt  }
0x3e: {  	_ =	shalt  }
0x3f: {  	_ =	shalt  }
0x40: {  	_ =	shalt  }
0x41: {  	_ =	shalt  }
0x42: {  	_ =	shalt  }
0x43: {  	_ =	shalt  }
0x44: {  	_ =	shalt  }
0x45: {  	_ =	shalt  }
0x46: {  	_ =	shalt  }
0x47: {  	_ =	shalt  }
0x48: {  	_ =	shalt  }
0x49: {  	_ =	shalt  }
0x4a: {  	_ =	shalt  }
0x4b: {  	_ =	shalt  }
0x4c: {  	_ =	shalt  }
0x4d: {  	_ =	shalt  }
0x4e: {  	_ =	shalt  }
0x4f: {  	_ =	shalt  }
0x50: {  	_ =	shalt  }
0x51: {  	_ =	shalt  }
0x52: {  	_ =	shalt  }
0x53: {  	_ =	shalt  }
0x54: {  	_ =	shalt  }
0x55: {  	_ =	shalt  }
0x56: {  	_ =	shalt  }
0x57: {  	_ =	shalt  }
0x58: {  	_ =	shalt  }
0x59: {  	_ =	shalt  }
0x5a: {  	_ =	shalt  }
0x5b: {  	_ =	shalt  }
0x5c: {  	_ =	shalt  }
0x5d: {  	_ =	shalt  }
0x5e: {  	_ =	shalt  }
0x5f: {  	_ =	shalt  }
0x60: {  	_ =	shalt  }
0x61: {  	_ =	shalt  }
0x62: {  	_ =	shalt  }
0x63: {  	_ =	shalt  }
0x64: {  	_ =	shalt  }
0x65: {  	_ =	shalt  }
0x66: {  	_ =	shalt  }
0x67: {  	_ =	shalt  }
0x68: {  	_ =	shalt  }
0x69: {  	_ =	shalt  }
0x6a: {  	_ =	shalt  }
0x6b: {  	_ =	shalt  }
0x6c: {  	_ =	shalt  }
0x6d: {  	_ =	shalt  }
0x6e: {  	_ =	shalt  }
0x6f: {  	_ =	shalt  }
0x70: {  	_ =	shalt  }
0x71: {  	_ =	shalt  }
0x72: {  	_ =	shalt  }
0x73: {  	_ =	shalt  }
0x74: {  	_ =	shalt  }
0x75: {  	_ =	shalt  }
0x76: {  	_ =	shalt  }
0x77: {  	_ =	shalt  }
0x78: {  	_ =	shalt  }
0x79: {  	_ =	shalt  }
0x7a: {  	_ =	shalt  }
0x7b: {  	_ =	shalt  }
0x7c: {  	_ =	shalt  }
0x7d: {  	_ =	shalt  }
0x7e: {  	_ =	shalt  }
0x7f: {  	_ =	shalt  }
0x80: {  	_ =	shalt  }
0x81: {  	_ =	shalt  }
0x82: {  	_ =	shalt  }
0x83: {  	_ =	shalt  }
0x84: {  	_ =	shalt  }
0x85: {  	_ =	shalt  }
0x86: {  	_ =	shalt  }
0x87: {  	_ =	shalt  }
.Lfunc_end0:
.L_simem_size_0:
called_computation_lowered:
.L_overlay_start_0:
0x88: {  	s2 =	sld [smem:$0x3FD9]  }
0x89: {  	s3 =	sld [smem:$0x3FFE];
	_ =	sdelay $0x1  }
0x8a: {  	s1 =	srdreg.scid  }
0x8b: {  	s0 =	sand.u32 $0x1, s1  }
0x8c: {  	s16 =	sshll.u32 s0, $0xA;
	s2 =	sadd.s32 s3, s2  }
0x8d: {  	s2 =	sadd.s32 s2, s16  }
0x8e: {  	[smem:$0x3FC6] =	sst s2  }
0x8f: {  	_ = 	snop  }
0x90: {  	(tm) =	ssettm $0x1  }
0x91: {  	s17 =	sld [smem:$0x3FFB];
	_ =	sdelay $0x3  }
0x92: {  	_ =	strace s17  }
0x93: {  	s2 =	sld [smem:$0x3FFC];
	_ =	sdelay $0x3  }
0x94: {  	_ =	strace s2  }
0x95: {  	s2 =	sld [smem:$0x3FFD];
	_ =	sdelay $0x3  }
0x96: {  	_ =	strace s2  }
0x97: {  	_ =	strace $0x8FFFFFFF  }
0x98: {  	s18 =	sld [smem:$0x3FDB];
	_ =	sdelay $0x1  }
0x99: {  	s19 =	simm.s32 $_scs_section_size  }
0x9a: {  	s4 =	simm.s32 $_size__tile_overlayer_lowered;
	s5 =	simm.s32 $_tile_overlayer_lowered  }
0x9b: {  	s22 =	simm.s32 $0x1BFF;
	s21 =	sshll.u32 s5, $0x1;
	s2 =	sadd.s32 s19, s18  }
0x9c: {  	s6 =	simm.s32 $0x0;
	s20 =	sshll.u32 s4, $0x1;
	s4 =	sadd.s32 s21, s2  }
0x9d: {  	[timem:s6], [sflag:s22] =	dma.local [hbm:s4], s20  }
0x9e: {  	_ =	swait.ge [sflag:s22], s20  }
0x9f: {  	s3 =	ssub.s32 $0x0, s20;
	[sflag:s22] =	ssyncset.done $0x0  }
0xa0: {  	[sflag:s22] =	ssyncadd.s32 s3;
	_ =	sdelay $0x1  }
0xa1: {  	s23 =	simm.s32 $0x1B8B  }
0xa2: {  	_ =	swait.ge [sflag:s23], $0x1  }
0xa3: {  	[sflag:s23] =	ssyncset.done $0x0  }
0xa4: {  	s25 =	simm.s32 $0x1B8E;
	s24 =	sld [smem:$0x3FFE];
	[sflag:s23] =	ssyncadd.s32 $0xFFFFFFFF  }
0xa5: {  	s26 =	simm.s32 $execute0_lowered;
	[smem:$0x3FD2] =	sst s25  }
0xa6: {  	s4 =	sshll.u32 s26, $0x1;
	_ =	strace $0x80000046;
	[dreg:$0x1] =	wrdreg $0xFFFFFFFF  }
0xa7: {  	s28 =	simm.s32 $_size_execute0_lowered;
	s2 =	sadd.s32 s2, s4;
	[dreg:$0x0] =	wrdreg $0x0  }
0xa8: {  	s4 =	sshll.u32 s28, $0x1;
	[dreg:$0x2] =	wrdreg s2  }
0xa9: {  	[dreg:$0x3] =	wrdreg s4  }
0xaa: {  	[dreg:$0x4] =	wrdreg $0xC0  }
0xab: {  	_ =	task [dreg:s6], $0x5FFFF  }
0xac: {  	[dreg:$0x1] =	wrdreg $0xFFFFFFFF  }
0xad: {  	[dreg:$0x0] =	wrdreg $0x60  }
0xae: {  	[dreg:$0x2] =	wrdreg s24  }
0xaf: {  	[dreg:$0x3] =	wrdreg $0x9  }
0xb0: {  	_ =	task.clear_ibuf [dreg:s6], $0x4FFFF;
	_ =	strace $0x90000046  }
0xb1: {  	s29 =	simm.s32 $0x9;
	_ =	strace $0x80000048  }
0xb2: {  	_ =	swait.ge [sflag:s29], $0x1  }
0xb3: {  	[sflag:s29] =	ssyncadd.s32 $0xFFFFFFFF  }
0xb4: {  	_ =	strace $0x90000048  }
0xb5: {  	_ =	sfence  }
0xb6: {  	s30 =	sld [smem:$0x0];
	_ =	sdelay $0x2  }
0xb7: {  	s31 =	sshll.u32 s1, $0xD;
	s1 =	sshrl.u32 s1, $0x2  }
0xb8: {  	s3 =	sand.u32 $0x4000, s31;
	s1 =	sadd.s32 s1, s30  }
0xb9: {  	s0 =	sor.u32 s3, s0;
	s1 =	sshll.u32 s1, $0x11  }
0xba: {  	s0 =	sor.u32 s1, s0  }
0xbb: {  	s0 =	sadd.s32 $0x8F2B, s0  }
0xbc: {  	[sflag:s0] =	ssyncadd.remote.s32 $0x1  }
0xbd: {  	_ =	sfence.sel $0xFFFF  }
0xbe: {  	[dreg:$0x0] =	wrdreg $0xFFFFFFFF;
	(pc) =	sbr.abs _section_cstart, $3  }
0xbf: {  	[dreg:$0x1] =	wrdreg $0xFFFFFFFF  }
0xc0: {  	_ =	task.clear_ibuf [dreg:s6], $0x2FFFF;
	_ =	strace $0x9FFFFFFF  }
0xc1: {  	(tm) =	ssettm $0x7FFFFFFF  }
tec
execute0_lowered:
.L_overlay_start_1:
0x0: {  	(tag) =	ssettag $0x1  }
0x1: {  	s1 =	srdreg.scid;
	s0 =	stileid.u32  }
0x2: {  	s3 =	sand.u32 $0x1, s1;
	s30 =	sshll.u32 s0, $0x1  }
0x3: {  	s4 =	rddreg [dreg:$0x0];
	s2 =	simm.s32 $0x0;
	s5 =	sor.u32 s3, s30  }
0x4: {  	s8 =	simm.s32 $0x5400;
	s9 =	simm.s32 $0x5F00;
	s6 =	smul.u32 $0xA80, s5  }
0x5: {  	s10 =	simm.s32 $0x0;
	[smem:$0x7FF] =	sst s2;
	s5 =	smul.u32 $0x150, s5  }
0x6: {  	v0 =	vlaneseq.u32;
	s1 =	rddreg [dreg:$0x1];
	_ =	strace $0x80000047;
	s3 =	ssub.s32 $0x2, s3  }
0x7: {  	v4 =	vmul.u32 $0xFFFFFFFF, v0;
	s31 =	sshrl.u32 s3, $0x1;
	s6 =	sadd.s32 s6, s4;
	s5 =	sadd.s32 s5, s4  }
0x8: {  	vm0 =	vmmov $0xff;
	v1 =	vor.u32 $0x10, v0;
	s7 =	ssub.s32 s3, s31;
	s3 =	sadd.s32 $0x2D600, s6;
	s4 =	sadd.s32 $0x45000, s5  }
0x9: {  	v2 =	vor.u32 $0x20, v0;
	v3 =	vor.u32 $0x30, v0;
	v4 =	vadd.s32 $0xF, v4;
	s5 =	sadd.s32 $0x42600, s5;
	s6 =	smax.u32 s7, $0x1;
	s7 =	simm.s32 $0x1  }
.LBB2_1:
0xa: {  	[tilespmem:s2], [sflag:$0x1] =	stream.linear.gather [hbm4b:s3+s2], $0x5400, $0x38;
	[tilespmem:$0x6A00] =	vst v63  }
0xb: {  	_ =	swait.ge [sflag:s7], $0x5400  }
0xc: {  	[sflag:s7] =	ssyncset.done $0x0  }
0xd: {  	s12 =	simm.s32 $0x20;
	[sflag:s7] =	ssyncadd.s32 $0xFFFFAC00  }
0xe: {  	s13 =	simm.s32 $0x20;
	s11 =	simm.s32 $0x0;
	v5 =	vld [tilespmem:s12+$0x10]  }
.LBB2_2:
0xf: {  	p0 =	sne.s32 s13, $0x29E0;
	v6 =	vld [tilespmem:s12+$0xFFFFFFF0]  }
0x10: {  	v7 =	vld [tilespmem:s12+$0x0];
	_ =	sdelay $0x1  }
0x11: {  	v8 =	vld [tilespmem:s12+$0xFFFFFFE0]  }
0x12: {  	(xrf1) =	vsort.dscd.msk.f32 $0xffff, v5, v3  }
0x13: {  	(xrf1) =	vsort.dscd.msk.f32 $0xffff, v6, v1  }
0x14: {  	(xrf1) =	vsort.dscd.msk.f32 $0xffff, v7, v2;
	_ =	sdelay $0x1  }
0x15: {  	(xrf1) =	vsort.dscd.msk.f32 $0xffff, v8, v0;
	_ =	sdelay $0x9  }
0x16: {  	v5, v6, _ =	vpop (xrf1)  }
0x17: {  	v5 =	vperm.xlane v5, v4;
	v6 =	vperm.xlane v6, v4;
	v7, v8, _ =	vpop (xrf1)  }
0x18: {  	v7 =	vperm.xlane v7, v4;
	v9, v10, _ =	vpop (xrf1)  }
0x19: {  	v8 =	vperm.xlane v8, v4;
	v5 =	vsel vm0, v9, v5;
	v6 =	vsel vm0, v10, v6  }
0x1a: {  	v9, v10, _ =	vpop (xrf1);
	(xrf1) =	vsort.dscd.msk.f32 $0xffff, v5, v6  }
0x1b: {  	v5 =	vsel vm0, v9, v7;
	v6 =	vsel vm0, v10, v8  }
0x1c: {  	(xrf1) =	vsort.dscd.msk.f32 $0xffff, v5, v6;
	_ =	sdelay $0xb  }
0x1d: {  	v5, v6, _ =	vpop (xrf1)  }
0x1e: {  	v5 =	vperm.xlane v5, v4;
	v6 =	vperm.xlane v6, v4  }
0x1f: {  	v7, v8, _ =	vpop (xrf1)  }
0x20: {  	v5 =	vsel vm0, v7, v5;
	v6 =	vsel vm0, v8, v6  }
0x21: {  	(xrf1) =	vsort.dscd.msk.f32 $0xffff, v5, v6;
	_ =	sdelay $0xd  }
0x22: {  	s14 =	sshra.s32 s11, $0x2;
	s11 =	smov.u32 s13;
	v5, v6, _ =	vpop (xrf1)  }
0x23: {  	v7 =	vnsel vm0, $0x0, v5;
	[tilespmem:s14+$0x5F00] =	vst.msk $0xff, v6  }
0x24: {  	(xrf2) =	vadd.scan.msk.f32 $0xffff, v7;
	_ =	sdelay $0x9  }
0x25: {  	v6, _, _ =	vpop (xrf2)  }
0x26: {  	v6 =	vbroadcast v6, $0xF;
	_ =	sdelay $0x1  }
0x27: {  	(erf) = vrcp.f32 v6;
	_ =	sdelay $0x8  }
.Ltmp0:
0x28: {  	v6 =	vpop (erf);
	(pc) =	sbr.rel @p0 .LBB2_2-.Ltmp0, $3  }
0x29: {  	v5 =	vmul.f32 v6, v5;
	_ =	sdelay $0x1  }
0x2a: {  	s12 =	sadd.s32 $0x40, s12;
	[tilespmem:s14+$0x5400] =	vst.msk $0xff, v5  }
0x2b: {  	s13 =	sadd.s32 $0x20, s13;
	v5 =	vld [tilespmem:s12+$0x10]  }
0x2c: {  	v6 =	vld [tilespmem:s12+$0xFFFFFFF0]  }
0x2d: {  	v7 =	vld [tilespmem:s12+$0x0];
	_ =	sdelay $0x1  }
0x2e: {  	v8 =	vld [tilespmem:s12+$0xFFFFFFE0]  }
0x2f: {  	(xrf1) =	vsort.dscd.msk.f32 $0xffff, v5, v3  }
0x30: {  	(xrf1) =	vsort.dscd.msk.f32 $0xffff, v6, v1  }
0x31: {  	(xrf1) =	vsort.dscd.msk.f32 $0xffff, v7, v2;
	_ =	sdelay $0x1  }
0x32: {  	(xrf1) =	vsort.dscd.msk.f32 $0xffff, v8, v0;
	_ =	sdelay $0x9  }
0x33: {  	v5, v6, _ =	vpop (xrf1)  }
0x34: {  	v5 =	vperm.xlane v5, v4;
	v6 =	vperm.xlane v6, v4;
	v7, v60, _ =	vpop (xrf1)  }
0x35: {  	v7 =	vperm.xlane v7, v4;
	v9, v10, _ =	vpop (xrf1)  }
0x36: {  	v8 =	vperm.xlane v60, v4;
	v5 =	vsel vm0, v9, v5;
	v6 =	vsel vm0, v10, v6  }
0x37: {  	v61, v62, _ =	vpop (xrf1);
	(xrf1) =	vsort.dscd.msk.f32 $0xffff, v5, v6  }
0x38: {  	v5 =	vsel vm0, v61, v7;
	v6 =	vsel vm0, v62, v8  }
0x39: {  	(xrf1) =	vsort.dscd.msk.f32 $0xffff, v5, v6;
	_ =	sdelay $0xb  }
0x3a: {  	v5, v6, _ =	vpop (xrf1)  }
0x3b: {  	v5 =	vperm.xlane v5, v4;
	v6 =	vperm.xlane v6, v4  }
0x3c: {  	v7, v63, _ =	vpop (xrf1)  }
0x3d: {  	v5 =	vsel vm0, v7, v5;
	v6 =	vsel vm0, v63, v6  }
0x3e: {  	(xrf1) =	vsort.dscd.msk.f32 $0xffff, v5, v6;
	_ =	sdelay $0xd  }
0x3f: {  	v5, v6, _ =	vpop (xrf1)  }
0x40: {  	v7 =	vnsel vm0, $0x0, v5  }
0x41: {  	(xrf2) =	vadd.scan.msk.f32 $0xffff, v7;
	_ =	sdelay $0x9  }
0x42: {  	v7, _, _ =	vpop (xrf2)  }
0x43: {  	v7 =	vbroadcast v7, $0xF;
	_ =	sdelay $0x1  }
0x44: {  	(erf) = vrcp.f32 v7;
	_ =	sdelay $0x8  }
0x45: {  	v7 =	vpop (erf)  }
0x46: {  	s11 =	sshra.s32 s11, $0x2;
	v5 =	vmul.f32 v7, v5  }
0x47: {  	[tilespmem:s11+$0x5F00] =	vst.msk $0xff, v6  }
0x48: {  	[tilespmem:s11+$0x5400] =	vst.msk $0xff, v5  }
0x49: {  	[hbm4b:s4+s2] =	stream.linear.scatter [tilespmem:s8], [sflag:$0x1], $0xA80, $0x38;
	[tilespmem:$0x6A00] =	vst v63  }
0x4a: {  	s10 =	sadd.s32 $0x1, s10;
	_ =	swait.ge [sflag:s7], $0xA80  }
0x4b: {  	p0 =	sne.s32 s10, s6;
	[sflag:s7] =	ssyncset.done $0x0  }
.Ltmp1:
0x4c: {  	[sflag:s7] =	ssyncadd.s32 $0xFFFFF580;
	(pc) =	sbr.rel @p0 .LBB2_1-.Ltmp1, $4  }
0x4d: {  	[hbm4b:s5+s2] =	stream.linear.scatter [tilespmem:s9], [sflag:$0x1], $0xA80, $0x38;
	[tilespmem:$0x6A00] =	vst v63  }
0x4e: {  	_ =	swait.ge [sflag:s7], $0xA80  }
0x4f: {  	[sflag:s7] =	ssyncset.done $0x0  }
0x50: {  	[sflag:s7] =	ssyncadd.s32 $0xFFFFF580  }
0x51: {  	_ =	sfence.sel $0x180000  }
0x52: {  	[bflag:$0x0] =	sbarrier.arrive $0xFFFF  }
0x53: {  	p0 =	sne.s32 s0, $0x0;
	_ =	strace $0x90000047  }
0x54: {  	s0 =	sadd.s32 @!p0 $0x100000, s1;
	[bflag:$0x2] =	sbarrier.arrive $0xFFFF  }
0x55: {  	[sflag:s0] =	ssyncadd.tile.s32 @!p0 $0x1;
	_ =	shalt  }
.Lfunc_end2:
_tile_overlayer_lowered:
.L_overlay_start_2:
0x56: {  	(tag) =	ssettag $0x2  }
0x57: {  	s0 =	rddreg [dreg:$0x0];
	s2 =	stileid.u32  }
0x58: {  	s1 =	rddreg [dreg:$0x1];
	p0 =	sne.s32 s2, $0x0  }
0x59: {  	s3 =	rddreg [dreg:$0x2];
	[bflag:$0x3] =	sbarrier.arrive $0xFFFF;
	s2 =	simm.s32 @!p0 $0x1C01  }
0x5a: {  	[timem:s3], [sflag:s2] =	dma.local @!p0 [hbm:s0], s1  }
0x5b: {  	s0 =	simm.s32 @!p0 $0x1  }
0x5c: {  	_ =	swait.ge @!p0 [sflag:s0], s1  }
0x5d: {  	s1 =	ssub.s32 @!p0 $0x0, s1;
	[sflag:s0] =	ssyncset.done @!p0 $0x0  }
0x5e: {  	[sflag:s0] =	ssyncadd.s32 @!p0 s1  }
0x5f: {  	[bflag:$0x3] =	sbarrier.arrive $0xFFFF  }
0x60: {  	_ =	shalt  }

// kernel: kernel.13.cloned.1.call-start
scs
__scs_entry_jumppad:
0x0: {  	(pc) =	sbr.rel $0x88, $3  }
0x1: {  	(tag) =	ssettag $0x0;
	lr =	simm.s32 $0x1  }
0x2: {  	[smem:$0x3F9F] =	sst lr;
	_ =	strace $0xD0000000  }
0x3: {  	_ = 	snop  }
0x4: {  	_ = 	snop  }
0x5: {  	_ = 	snop  }
0x6: {  	_ = 	snop  }
0x7: {  	_ = 	snop  }
__scs_overlays_trampoline_lowered:
0x8: {  	[smem:$0x3FAE] =	sst s0  }
0x9: {  	[smem:$0x3FAF] =	sst s1  }
0xa: {  	[smem:$0x3FB0] =	sst s2  }
0xb: {  	[smem:$0x3FB1] =	sst s3  }
0xc: {  	[smem:$0x3FB2] =	sst s4  }
0xd: {  	[smem:$0x3FB3] =	sst s5  }
0xe: {  	[smem:$0x3FB4] =	sst s6  }
0xf: {  	[smem:$0x3FB5] =	sst s7  }
0x10: {  	[smem:$0x3FB6] =	sst s8  }
0x11: {  	[smem:$0x3FB7] =	sst s9;
	s0 =	simm.s32 @!p0 $0x0  }
0x12: {  	s1 =	sld [smem:$0x3F9D];
	s0 =	simm.s32 @p0 $0x1  }
0x13: {  	[smem:$0x3FB8] =	sst s0;
	s0 =	simm.s32 @!p1 $0x0  }
0x14: {  	s2 =	sld [smem:$0x3F9C];
	s0 =	simm.s32 @p1 $0x1  }
0x15: {  	[smem:$0x3FB9] =	sst s0;
	s0 =	simm.s32 @!p2 $0x0  }
0x16: {  	s3 =	sld [smem:$0x3FDB];
	s0 =	simm.s32 @p2 $0x1  }
0x17: {  	s4 =	simm.s32 $0x1BF5;
	[smem:$0x3FBB] =	sst s0  }
0x18: {  	s0 =	sld [smem:$0x3F9E];
	_ =	swait.ge [sflag:s4], $0x0  }
0x19: {  	s7 =	sld [smem:$0x3F9F]  }
0x1a: {  	s8 =	sadd.s32 $0xFFFFE003, lr  }
0x1b: {  	s9 =	sadd.s32 $0xFFFFFEF7, lr;
	s5 =	simm.s32 $0xFFFFFFFF;
	p2 =	slt.u32 s8, $0xFFFFF086  }
0x1c: {  	p1 =	slt.u32 s9, $0xF7A;
	s5 =	simm.s32 @!p2 $0x0  }
0x1d: {  	s5 =	simm.s32 @p1 $0x1;
	p0 =	seq.s32 s7, s2  }
0x1e: {  	s7 =	smul.u32 @!p0 $0xF7A, s2;
	p2 =	seq.s32 @!p0 s5, $0x0  }
0x1f: {  	s9 =	smul.u32 $0xF7A, s1;
	s8 =	simm.s32 @!p0 $0x1BF5;
	p2 =	por !p2, p0  }
0x20: {  	[sflag:s8] =	ssyncset.s32 @!p0 $0xFFFFF086;
	s6 =	sadd.s32 @!p0 s3, s7;
	s7 =	simm.s32 @!p0 $0x108  }
0x21: {  	s3 =	sadd.s32 s3, s9;
	s6 =	sadd.s32 @!p0 $0x88, s6;
	s7 =	simm.s32 @p2 $0x1082  }
0x22: {  	[simem:s7], [sflag:s8] =	dma.local @!p0 [hbm:s6], $0xF7A  }
0x23: {  	s9 =	sor.u32 $0xD0000000, s2;
	s6 =	simm.s32 $0x108;
	_ =	swait.ge @!p0 [sflag:s8], $0x0  }
0x24: {  	s3 =	sadd.s32 $0x88, s3;
	s6 =	simm.s32 @!p1 $0x1082;
	[sflag:s4] =	ssyncset.s32 $0xFFFFF086  }
0x25: {  	[simem:s6], [sflag:s4] =	dma.local [hbm:s3], $0xF7A  }
0x26: {  	[smem:$0x3F9F] =	sst s1;
	(tag) =	ssettag s2;
	_ =	strace s9  }
0x27: {  	s1 =	sld [smem:$0x3FAF]  }
0x28: {  	s2 =	sld [smem:$0x3FB0]  }
0x29: {  	s4 =	sld [smem:$0x3FB2]  }
0x2a: {  	p0 =	seq.s32 s5, $0x0;
	s5 =	sld [smem:$0x3FB3]  }
0x2b: {  	s6 =	sld [smem:$0x3FB4]  }
0x2c: {  	s7 =	sld [smem:$0x3FB5]  }
0x2d: {  	s3 =	simm.s32 $0x108;
	s8 =	sld [smem:$0x3FB6]  }
0x2e: {  	s3 =	simm.s32 @!p0 $0x1082;
	s9 =	sld [smem:$0x3FB7]  }
0x2f: {  	lr =	sadd.s32 s0, s3;
	s0 =	sld [smem:$0x3FAE]  }
0x30: {  	s3 =	sld [smem:$0x3FB1]  }
0x31: {  	[smem:$0x3FBA] =	sst s10  }
0x32: {  	s10 =	sld [smem:$0x3FB8];
	_ =	sdelay $0x3  }
0x33: {  	p0 =	seq.s32 s10, $0x1;
	s10 =	sld [smem:$0x3FBA];
	_ =	sdelay $0x3  }
0x34: {  	[smem:$0x3FBA] =	sst s10  }
0x35: {  	s10 =	sld [smem:$0x3FB9];
	_ =	sdelay $0x3  }
0x36: {  	p1 =	seq.s32 s10, $0x1;
	s10 =	sld [smem:$0x3FBA];
	_ =	sdelay $0x3  }
0x37: {  	[smem:$0x3FBA] =	sst s10  }
0x38: {  	s10 =	sld [smem:$0x3FBB]  }
0x39: {  	_ = 	snop;
	(pc) =	sbr.ind lr, $3  }
0x3a: {  	_ = 	snop  }
0x3b: {  	_ = 	snop  }
0x3c: {  	p2 =	seq.s32 s10, $0x1;
	s10 =	sld [smem:$0x3FBA]  }
0x3d: {  	_ =	shalt  }
0x3e: {  	_ =	shalt  }
0x3f: {  	_ =	shalt  }
0x40: {  	_ =	shalt  }
0x41: {  	_ =	shalt  }
0x42: {  	_ =	shalt  }
0x43: {  	_ =	shalt  }
0x44: {  	_ =	shalt  }
0x45: {  	_ =	shalt  }
0x46: {  	_ =	shalt  }
0x47: {  	_ =	shalt  }
0x48: {  	_ =	shalt  }
0x49: {  	_ =	shalt  }
0x4a: {  	_ =	shalt  }
0x4b: {  	_ =	shalt  }
0x4c: {  	_ =	shalt  }
0x4d: {  	_ =	shalt  }
0x4e: {  	_ =	shalt  }
0x4f: {  	_ =	shalt  }
0x50: {  	_ =	shalt  }
0x51: {  	_ =	shalt  }
0x52: {  	_ =	shalt  }
0x53: {  	_ =	shalt  }
0x54: {  	_ =	shalt  }
0x55: {  	_ =	shalt  }
0x56: {  	_ =	shalt  }
0x57: {  	_ =	shalt  }
0x58: {  	_ =	shalt  }
0x59: {  	_ =	shalt  }
0x5a: {  	_ =	shalt  }
0x5b: {  	_ =	shalt  }
0x5c: {  	_ =	shalt  }
0x5d: {  	_ =	shalt  }
0x5e: {  	_ =	shalt  }
0x5f: {  	_ =	shalt  }
0x60: {  	_ =	shalt  }
0x61: {  	_ =	shalt  }
0x62: {  	_ =	shalt  }
0x63: {  	_ =	shalt  }
0x64: {  	_ =	shalt  }
0x65: {  	_ =	shalt  }
0x66: {  	_ =	shalt  }
0x67: {  	_ =	shalt  }
0x68: {  	_ =	shalt  }
0x69: {  	_ =	shalt  }
0x6a: {  	_ =	shalt  }
0x6b: {  	_ =	shalt  }
0x6c: {  	_ =	shalt  }
0x6d: {  	_ =	shalt  }
0x6e: {  	_ =	shalt  }
0x6f: {  	_ =	shalt  }
0x70: {  	_ =	shalt  }
0x71: {  	_ =	shalt  }
0x72: {  	_ =	shalt  }
0x73: {  	_ =	shalt  }
0x74: {  	_ =	shalt  }
0x75: {  	_ =	shalt  }
0x76: {  	_ =	shalt  }
0x77: {  	_ =	shalt  }
0x78: {  	_ =	shalt  }
0x79: {  	_ =	shalt  }
0x7a: {  	_ =	shalt  }
0x7b: {  	_ =	shalt  }
0x7c: {  	_ =	shalt  }
0x7d: {  	_ =	shalt  }
0x7e: {  	_ =	shalt  }
0x7f: {  	_ =	shalt  }
0x80: {  	_ =	shalt  }
0x81: {  	_ =	shalt  }
0x82: {  	_ =	shalt  }
0x83: {  	_ =	shalt  }
0x84: {  	_ =	shalt  }
0x85: {  	_ =	shalt  }
0x86: {  	_ =	shalt  }
0x87: {  	_ =	shalt  }
.Lfunc_end0:
.L_simem_size_0:
called_computation.1_lowered:
.L_overlay_start_0:
0x88: {  	s2 =	sld [smem:$0x3FD9]  }
0x89: {  	s3 =	sld [smem:$0x3FFE];
	_ =	sdelay $0x1  }
0x8a: {  	s1 =	srdreg.scid  }
0x8b: {  	s0 =	sand.u32 $0x1, s1  }
0x8c: {  	s15 =	sshll.u32 s0, $0xA;
	s2 =	sadd.s32 s3, s2  }
0x8d: {  	s2 =	sadd.s32 s2, s15  }
0x8e: {  	[smem:$0x3FC6] =	sst s2  }
0x8f: {  	_ = 	snop  }
0x90: {  	s2 =	sld [smem:$0x3FD0];
	_ =	sdelay $0x2  }
0x91: {  	s4 =	simm.s32 $0xD;
	s16 =	simm.s32 $0x10  }
0x92: {  	[smem:s16], [sflag:s4] =	dma.local [hbm:s2], $0x1  }
0x93: {  	_ =	swait.eq [sflag:s4], $0x1  }
0x94: {  	[sflag:s4] =	ssyncset.done $0x0  }
0x95: {  	s17 =	sld [smem:$0x11];
	[sflag:s4] =	ssyncadd.s32 $0xFFFFFFFF  }
0x96: {  	s18 =	sld [smem:$0x12];
	(tm) =	ssettm $0x1  }
0x97: {  	s19 =	sld [smem:$0x3FFB];
	_ =	sdelay $0x3  }
0x98: {  	_ =	strace s19  }
0x99: {  	s2 =	sld [smem:$0x3FFC];
	_ =	sdelay $0x3  }
0x9a: {  	_ =	strace s2  }
0x9b: {  	s2 =	sld [smem:$0x3FFD];
	_ =	sdelay $0x3  }
0x9c: {  	_ =	strace s2  }
0x9d: {  	_ =	strace $0x8FFFFFFF  }
0x9e: {  	s20 =	sld [smem:$0x3FDB];
	_ =	sdelay $0x1  }
0x9f: {  	s5 =	simm.s32 $_scs_section_size  }
0xa0: {  	s6 =	simm.s32 $_size__tile_overlayer_lowered;
	s7 =	simm.s32 $_tile_overlayer_lowered  }
0xa1: {  	s8 =	simm.s32 $0x1BFF;
	s21 =	sshll.u32 s7, $0x1;
	s5 =	sadd.s32 s5, s20  }
0xa2: {  	s22 =	simm.s32 $0x0;
	s6 =	sshll.u32 s6, $0x1;
	s7 =	sadd.s32 s21, s5  }
0xa3: {  	[timem:s22], [sflag:s8] =	dma.local [hbm:s7], s6  }
0xa4: {  	_ =	swait.ge [sflag:s8], s6  }
0xa5: {  	s6 =	ssub.s32 $0x0, s6;
	[sflag:s8] =	ssyncset.done $0x0  }
0xa6: {  	[sflag:s8] =	ssyncadd.s32 s6;
	_ =	sdelay $0x1  }
0xa7: {  	s23 =	simm.s32 $0x1B8B  }
0xa8: {  	_ =	swait.ge [sflag:s23], $0x1  }
0xa9: {  	[sflag:s23] =	ssyncset.done $0x0  }
0xaa: {  	[sflag:s23] =	ssyncadd.s32 $0xFFFFFFFF  }
0xab: {  	s6 =	sld [smem:$0x0]  }
0xac: {  	s7 =	sand.u32 $0xFFFFFFFE, s1  }
0xad: {  	p0 =	sne.s32 s1, s7  }
0xae: {  	s7 =	sshll.u32 @p0 s7, $0xE  }
0xaf: {  	s7 =	sadd.s32 @p0 $0x11B8D, s7;
	s8 =	sshll.u32 @p0 s6, $0x11  }
0xb0: {  	s7 =	sor.u32 @p0 s8, s7  }
0xb1: {  	[sflag:s7] =	ssyncadd.remote.s32 @p0 $0x1;
	_ =	sdelay $0x1  }
0xb2: {  	s7 =	simm.s32 @p0 $0x1B8D  }
0xb3: {  	_ =	swait.eq @p0 [sflag:s7], $0x1  }
0xb4: {  	[sflag:s7] =	ssyncadd.s32 @p0 $0xFFFFFFFF  }
0xb5: {  	s8 =	sshll.u32 @!p0 s1, $0xE  }
0xb6: {  	s8 =	sor.u32 @!p0 $0x4000, s8;
	s7 =	simm.s32 @!p0 $0x1B8D  }
0xb7: {  	s6 =	sshll.u32 @!p0 s6, $0x11;
	s8 =	sadd.s32 @!p0 $0x11B8D, s8;
	_ =	swait.eq @!p0 [sflag:s7], $0x1  }
0xb8: {  	s6 =	sor.u32 @!p0 s6, s8;
	[sflag:s7] =	ssyncadd.s32 @!p0 $0xFFFFFFFF  }
0xb9: {  	s25 =	simm.s32 $0x1B8E;
	s24 =	sld [smem:$0x3FFE];
	[sflag:s6] =	ssyncadd.remote.s32 @!p0 $0x1  }
0xba: {  	s26 =	simm.s32 $execute0_lowered;
	[smem:$0x3FD2] =	sst s25  }
0xbb: {  	s7 =	sshll.u32 s26, $0x1;
	_ =	strace $0x80000049;
	[dreg:$0x1] =	wrdreg $0xFFFFFFFF  }
0xbc: {  	s28 =	simm.s32 $_size_execute0_lowered;
	s5 =	sadd.s32 s5, s7;
	[dreg:$0x0] =	wrdreg $0x0  }
0xbd: {  	s7 =	sshll.u32 s28, $0x1;
	[dreg:$0x2] =	wrdreg s5  }
0xbe: {  	[dreg:$0x3] =	wrdreg s7  }
0xbf: {  	[dreg:$0x4] =	wrdreg $0xC0  }
0xc0: {  	_ =	task [dreg:s22], $0x5FFFF  }
0xc1: {  	[dreg:$0x1] =	wrdreg $0xFFFFFFFF  }
0xc2: {  	[dreg:$0x0] =	wrdreg $0x60  }
0xc3: {  	[dreg:$0x2] =	wrdreg s24  }
0xc4: {  	[dreg:$0x3] =	wrdreg s18  }
0xc5: {  	[dreg:$0x4] =	wrdreg s17  }
0xc6: {  	[dreg:$0x5] =	wrdreg $0xA  }
0xc7: {  	_ =	task.clear_ibuf [dreg:s22], $0x6FFFF;
	_ =	strace $0x90000049  }
0xc8: {  	s29 =	simm.s32 $0xA;
	_ =	strace $0x8000004B  }
0xc9: {  	_ =	swait.ge [sflag:s29], $0x1  }
0xca: {  	[sflag:s29] =	ssyncadd.s32 $0xFFFFFFFF  }
0xcb: {  	_ =	strace $0x9000004B  }
0xcc: {  	_ =	sfence  }
0xcd: {  	s30 =	sld [smem:$0x0];
	_ =	sdelay $0x2  }
0xce: {  	s31 =	sshll.u32 s1, $0xD;
	s1 =	sshrl.u32 s1, $0x2  }
0xcf: {  	s4 =	sand.u32 $0x4000, s31;
	s1 =	sadd.s32 s1, s30  }
0xd0: {  	s0 =	sor.u32 s4, s0;
	s1 =	sshll.u32 s1, $0x11  }
0xd1: {  	s0 =	sor.u32 s1, s0  }
0xd2: {  	s0 =	sadd.s32 $0x8F2B, s0  }
0xd3: {  	[sflag:s0] =	ssyncadd.remote.s32 $0x1  }
0xd4: {  	_ =	sfence.sel $0xFFFF  }
0xd5: {  	[dreg:$0x0] =	wrdreg $0xFFFFFFFF;
	(pc) =	sbr.abs _section_cstart, $3  }
0xd6: {  	[dreg:$0x1] =	wrdreg $0xFFFFFFFF  }
0xd7: {  	_ =	task.clear_ibuf [dreg:s22], $0x2FFFF;
	_ =	strace $0x9FFFFFFF  }
0xd8: {  	(tm) =	ssettm $0x7FFFFFFF  }
0xd9: {  	_ =	shalt  }
tec
execute0_lowered:
.L_overlay_start_1:
0x0: {  	(tag) =	ssettag $0x1  }
0x1: {  	s3 =	rddreg [dreg:$0x0]  }
0x2: {  	s1 =	srdreg.scid;
	s4 =	rddreg [dreg:$0x1]  }
0x3: {  	s0 =	stileid.u32;
	s6 =	rddreg [dreg:$0x2]  }
0x4: {  	s2 =	simm.s32 $0x0;
	s5 =	sand.u32 $0x1, s1;
	s30 =	sshll.u32 s0, $0x1  }
0x5: {  	s9 =	simm.s32 $0x5F00;
	s10 =	simm.s32 $0x0;
	s7 =	sor.u32 s5, s30  }
0x6: {  	s1 =	rddreg [dreg:$0x3];
	s5 =	ssub.s32 $0x2, s5;
	s8 =	smul.u32 $0xA80, s7  }
0x7: {  	v0 =	vlaneseq.u32;
	[smem:$0x7FF] =	sst s2;
	s7 =	smul.u32 $0x150, s7;
	s31 =	sshrl.u32 s5, $0x1  }
0x8: {  	v4 =	vmul.u32 $0xFFFFFFFF, v0;
	_ =	strace $0x8000004A;
	s3 =	sadd.s32 s8, s3;
	s8 =	ssub.s32 s5, s31  }
0x9: {  	vm0 =	vmmov $0xff;
	v1 =	vor.u32 $0x10, v0;
	s4 =	sadd.s32 s4, s7;
	s5 =	sadd.s32 s6, s7;
	s7 =	simm.s32 $0x1  }
0xa: {  	v2 =	vor.u32 $0x20, v0;
	v3 =	vor.u32 $0x30, v0;
	v4 =	vadd.s32 $0xF, v4;
	s3 =	sadd.s32 $0x47A00, s3;
	s6 =	smax.u32 s8, $0x1;
	s8 =	simm.s32 $0x5400  }
.LBB2_1:
0xb: {  	[tilespmem:s2], [sflag:$0x1] =	stream.linear.gather [hbm4b:s3+s2], $0x5400, $0x38;
	[tilespmem:$0x6A00] =	vst v63  }
0xc: {  	_ =	swait.ge [sflag:s7], $0x5400  }
0xd: {  	[sflag:s7] =	ssyncset.done $0x0  }
0xe: {  	s12 =	simm.s32 $0x20;
	[sflag:s7] =	ssyncadd.s32 $0xFFFFAC00  }
0xf: {  	s13 =	simm.s32 $0x20;
	s11 =	simm.s32 $0x0;
	v5 =	vld [tilespmem:s12+$0x10]  }
.LBB2_2:
0x10: {  	p0 =	sne.s32 s13, $0x29E0;
	v6 =	vld [tilespmem:s12+$0xFFFFFFF0]  }
0x11: {  	v7 =	vld [tilespmem:s12+$0x0];
	_ =	sdelay $0x1  }
0x12: {  	v8 =	vld [tilespmem:s12+$0xFFFFFFE0]  }
0x13: {  	(xrf1) =	vsort.dscd.msk.f32 $0xffff, v5, v3  }
0x14: {  	(xrf1) =	vsort.dscd.msk.f32 $0xffff, v6, v1  }
0x15: {  	(xrf1) =	vsort.dscd.msk.f32 $0xffff, v7, v2;
	_ =	sdelay $0x1  }
0x16: {  	(xrf1) =	vsort.dscd.msk.f32 $0xffff, v8, v0;
	_ =	sdelay $0x9  }
0x17: {  	v5, v6, _ =	vpop (xrf1)  }
0x18: {  	v5 =	vperm.xlane v5, v4;
	v6 =	vperm.xlane v6, v4;
	v7, v8, _ =	vpop (xrf1)  }
0x19: {  	v7 =	vperm.xlane v7, v4;
	v9, v10, _ =	vpop (xrf1)  }
0x1a: {  	v8 =	vperm.xlane v8, v4;
	v5 =	vsel vm0, v9, v5;
	v6 =	vsel vm0, v10, v6  }
0x1b: {  	v9, v10, _ =	vpop (xrf1);
	(xrf1) =	vsort.dscd.msk.f32 $0xffff, v5, v6  }
0x1c: {  	v5 =	vsel vm0, v9, v7;
	v6 =	vsel vm0, v10, v8  }
0x1d: {  	(xrf1) =	vsort.dscd.msk.f32 $0xffff, v5, v6;
	_ =	sdelay $0xb  }
0x1e: {  	v5, v6, _ =	vpop (xrf1)  }
0x1f: {  	v5 =	vperm.xlane v5, v4;
	v6 =	vperm.xlane v6, v4  }
0x20: {  	v7, v8, _ =	vpop (xrf1)  }
0x21: {  	v5 =	vsel vm0, v7, v5;
	v6 =	vsel vm0, v8, v6  }
0x22: {  	(xrf1) =	vsort.dscd.msk.f32 $0xffff, v5, v6;
	_ =	sdelay $0xd  }
0x23: {  	s14 =	sshra.s32 s11, $0x2;
	s11 =	smov.u32 s13;
	v5, v6, _ =	vpop (xrf1)  }
0x24: {  	v7 =	vnsel vm0, $0x0, v5;
	[tilespmem:s14+$0x5F00] =	vst.msk $0xff, v6  }
0x25: {  	(xrf2) =	vadd.scan.msk.f32 $0xffff, v7;
	_ =	sdelay $0x9  }
0x26: {  	v6, _, _ =	vpop (xrf2)  }
0x27: {  	v6 =	vbroadcast v6, $0xF;
	_ =	sdelay $0x1  }
0x28: {  	(erf) = vrcp.f32 v6;
	_ =	sdelay $0x8  }
.Ltmp0:
0x29: {  	v6 =	vpop (erf);
	(pc) =	sbr.rel @p0 .LBB2_2-.Ltmp0, $3  }
0x2a: {  	v5 =	vmul.f32 v6, v5;
	_ =	sdelay $0x1  }
0x2b: {  	s12 =	sadd.s32 $0x40, s12;
	[tilespmem:s14+$0x5400] =	vst.msk $0xff, v5  }
0x2c: {  	s13 =	sadd.s32 $0x20, s13;
	v5 =	vld [tilespmem:s12+$0x10]  }
0x2d: {  	v6 =	vld [tilespmem:s12+$0xFFFFFFF0]  }
0x2e: {  	v7 =	vld [tilespmem:s12+$0x0];
	_ =	sdelay $0x1  }
0x2f: {  	v8 =	vld [tilespmem:s12+$0xFFFFFFE0]  }
0x30: {  	(xrf1) =	vsort.dscd.msk.f32 $0xffff, v5, v3  }
0x31: {  	(xrf1) =	vsort.dscd.msk.f32 $0xffff, v6, v1  }
0x32: {  	(xrf1) =	vsort.dscd.msk.f32 $0xffff, v7, v2;
	_ =	sdelay $0x1  }
0x33: {  	(xrf1) =	vsort.dscd.msk.f32 $0xffff, v8, v0;
	_ =	sdelay $0x9  }
0x34: {  	v5, v6, _ =	vpop (xrf1)  }
0x35: {  	v5 =	vperm.xlane v5, v4;
	v6 =	vperm.xlane v6, v4;
	v7, v60, _ =	vpop (xrf1)  }
0x36: {  	v7 =	vperm.xlane v7, v4;
	v9, v10, _ =	vpop (xrf1)  }
0x37: {  	v8 =	vperm.xlane v60, v4;
	v5 =	vsel vm0, v9, v5;
	v6 =	vsel vm0, v10, v6  }
0x38: {  	v61, v62, _ =	vpop (xrf1);
	(xrf1) =	vsort.dscd.msk.f32 $0xffff, v5, v6  }
0x39: {  	v5 =	vsel vm0, v61, v7;
	v6 =	vsel vm0, v62, v8  }
0x3a: {  	(xrf1) =	vsort.dscd.msk.f32 $0xffff, v5, v6;
	_ =	sdelay $0xb  }
0x3b: {  	v5, v6, _ =	vpop (xrf1)  }
0x3c: {  	v5 =	vperm.xlane v5, v4;
	v6 =	vperm.xlane v6, v4  }
0x3d: {  	v7, v63, _ =	vpop (xrf1)  }
0x3e: {  	v5 =	vsel vm0, v7, v5;
	v6 =	vsel vm0, v63, v6  }
0x3f: {  	(xrf1) =	vsort.dscd.msk.f32 $0xffff, v5, v6;
	_ =	sdelay $0xd  }
0x40: {  	v5, v6, _ =	vpop (xrf1)  }
0x41: {  	v7 =	vnsel vm0, $0x0, v5  }
0x42: {  	(xrf2) =	vadd.scan.msk.f32 $0xffff, v7;
	_ =	sdelay $0x9  }
0x43: {  	v7, _, _ =	vpop (xrf2)  }
0x44: {  	v7 =	vbroadcast v7, $0xF;
	_ =	sdelay $0x1  }
0x45: {  	(erf) = vrcp.f32 v7;
	_ =	sdelay $0x8  }
0x46: {  	v7 =	vpop (erf)  }
0x47: {  	s11 =	sshra.s32 s11, $0x2;
	v5 =	vmul.f32 v7, v5  }
0x48: {  	[tilespmem:s11+$0x5F00] =	vst.msk $0xff, v6  }
0x49: {  	[tilespmem:s11+$0x5400] =	vst.msk $0xff, v5  }
0x4a: {  	[hbm4b:s4+s2] =	stream.linear.scatter [tilespmem:s8], [sflag:$0x1], $0xA80, $0x38;
	[tilespmem:$0x6A00] =	vst v63  }
0x4b: {  	s10 =	sadd.s32 $0x1, s10;
	_ =	swait.ge [sflag:s7], $0xA80  }
0x4c: {  	p0 =	sne.s32 s10, s6;
	[sflag:s7] =	ssyncset.done $0x0  }
.Ltmp1:
0x4d: {  	[sflag:s7] =	ssyncadd.s32 $0xFFFFF580;
	(pc) =	sbr.rel @p0 .LBB2_1-.Ltmp1, $4  }
0x4e: {  	[hbm4b:s5+s2] =	stream.linear.scatter [tilespmem:s9], [sflag:$0x1], $0xA80, $0x38;
	[tilespmem:$0x6A00] =	vst v63  }
0x4f: {  	_ =	swait.ge [sflag:s7], $0xA80  }
0x50: {  	[sflag:s7] =	ssyncset.done $0x0  }
0x51: {  	[sflag:s7] =	ssyncadd.s32 $0xFFFFF580  }
0x52: {  	_ =	sfence.sel $0x180000  }
0x53: {  	[bflag:$0x0] =	sbarrier.arrive $0xFFFF  }
0x54: {  	p0 =	sne.s32 s0, $0x0;
	_ =	strace $0x9000004A  }
0x55: {  	s0 =	sadd.s32 @!p0 $0x100000, s1;
	[bflag:$0x2] =	sbarrier.arrive $0xFFFF  }
0x56: {  	[sflag:s0] =	ssyncadd.tile.s32 @!p0 $0x1;
	_ =	shalt  }
.Lfunc_end2:
_tile_overlayer_lowered:
.L_overlay_start_2:
0x57: {  	(tag) =	ssettag $0x2  }
0x58: {  	s0 =	rddreg [dreg:$0x0];
	s2 =	stileid.u32  }
0x59: {  	s1 =	rddreg [dreg:$0x1];
	p0 =	sne.s32 s2, $0x0  }
0x5a: {  	s3 =	rddreg [dreg:$0x2];
	[bflag:$0x3] =	sbarrier.arrive $0xFFFF;
	s2 =	simm.s32 @!p0 $0x1C01  }
0x5b: {  	[timem:s3], [sflag:s2] =	dma.local @!p0 [hbm:s0], s1  }
0x5c: {  	s0 =	simm.s32 @!p0 $0x1  }
0x5d: {  	_ =	swait.ge @!p0 [sflag:s0], s1  }
0x5e: {  	s1 =	ssub.s32 @!p0 $0x0, s1;
	[sflag:s0] =	ssyncset.done @!p0 $0x0  }
0x5f: {  	[sflag:s0] =	ssyncadd.s32 @!p0 s1  }
0x60: {  	[bflag:$0x3] =	sbarrier.arrive $0xFFFF  }
0x61: {  	_ =	shalt  }

// kernel: kernel.16.cloned.1.call-start
scs
__scs_entry_jumppad:
0x0: {  	(pc) =	sbr.rel $0x88, $3  }
0x1: {  	(tag) =	ssettag $0x0;
	lr =	simm.s32 $0x1  }
0x2: {  	[smem:$0x3F9F] =	sst lr;
	_ =	strace $0xD0000000  }
0x3: {  	_ = 	snop  }
0x4: {  	_ = 	snop  }
0x5: {  	_ = 	snop  }
0x6: {  	_ = 	snop  }
0x7: {  	_ = 	snop  }
__scs_overlays_trampoline_lowered:
0x8: {  	[smem:$0x3FAE] =	sst s0  }
0x9: {  	[smem:$0x3FAF] =	sst s1  }
0xa: {  	[smem:$0x3FB0] =	sst s2  }
0xb: {  	[smem:$0x3FB1] =	sst s3  }
0xc: {  	[smem:$0x3FB2] =	sst s4  }
0xd: {  	[smem:$0x3FB3] =	sst s5  }
0xe: {  	[smem:$0x3FB4] =	sst s6  }
0xf: {  	[smem:$0x3FB5] =	sst s7  }
0x10: {  	[smem:$0x3FB6] =	sst s8  }
0x11: {  	[smem:$0x3FB7] =	sst s9;
	s0 =	simm.s32 @!p0 $0x0  }
0x12: {  	s1 =	sld [smem:$0x3F9D];
	s0 =	simm.s32 @p0 $0x1  }
0x13: {  	[smem:$0x3FB8] =	sst s0;
	s0 =	simm.s32 @!p1 $0x0  }
0x14: {  	s2 =	sld [smem:$0x3F9C];
	s0 =	simm.s32 @p1 $0x1  }
0x15: {  	[smem:$0x3FB9] =	sst s0;
	s0 =	simm.s32 @!p2 $0x0  }
0x16: {  	s3 =	sld [smem:$0x3FDB];
	s0 =	simm.s32 @p2 $0x1  }
0x17: {  	s4 =	simm.s32 $0x1BF5;
	[smem:$0x3FBB] =	sst s0  }
0x18: {  	s0 =	sld [smem:$0x3F9E];
	_ =	swait.ge [sflag:s4], $0x0  }
0x19: {  	s7 =	sld [smem:$0x3F9F]  }
0x1a: {  	s8 =	sadd.s32 $0xFFFFE003, lr  }
0x1b: {  	s9 =	sadd.s32 $0xFFFFFEF7, lr;
	s5 =	simm.s32 $0xFFFFFFFF;
	p2 =	slt.u32 s8, $0xFFFFF086  }
0x1c: {  	p1 =	slt.u32 s9, $0xF7A;
	s5 =	simm.s32 @!p2 $0x0  }
0x1d: {  	s5 =	simm.s32 @p1 $0x1;
	p0 =	seq.s32 s7, s2  }
0x1e: {  	s7 =	smul.u32 @!p0 $0xF7A, s2;
	p2 =	seq.s32 @!p0 s5, $0x0  }
0x1f: {  	s9 =	smul.u32 $0xF7A, s1;
	s8 =	simm.s32 @!p0 $0x1BF5;
	p2 =	por !p2, p0  }
0x20: {  	[sflag:s8] =	ssyncset.s32 @!p0 $0xFFFFF086;
	s6 =	sadd.s32 @!p0 s3, s7;
	s7 =	simm.s32 @!p0 $0x108  }
0x21: {  	s3 =	sadd.s32 s3, s9;
	s6 =	sadd.s32 @!p0 $0x88, s6;
	s7 =	simm.s32 @p2 $0x1082  }
0x22: {  	[simem:s7], [sflag:s8] =	dma.local @!p0 [hbm:s6], $0xF7A  }
0x23: {  	s9 =	sor.u32 $0xD0000000, s2;
	s6 =	simm.s32 $0x108;
	_ =	swait.ge @!p0 [sflag:s8], $0x0  }
0x24: {  	s3 =	sadd.s32 $0x88, s3;
	s6 =	simm.s32 @!p1 $0x1082;
	[sflag:s4] =	ssyncset.s32 $0xFFFFF086  }
0x25: {  	[simem:s6], [sflag:s4] =	dma.local [hbm:s3], $0xF7A  }
0x26: {  	[smem:$0x3F9F] =	sst s1;
	(tag) =	ssettag s2;
	_ =	strace s9  }
0x27: {  	s1 =	sld [smem:$0x3FAF]  }
0x28: {  	s2 =	sld [smem:$0x3FB0]  }
0x29: {  	s4 =	sld [smem:$0x3FB2]  }
0x2a: {  	p0 =	seq.s32 s5, $0x0;
	s5 =	sld [smem:$0x3FB3]  }
0x2b: {  	s6 =	sld [smem:$0x3FB4]  }
0x2c: {  	s7 =	sld [smem:$0x3FB5]  }
0x2d: {  	s3 =	simm.s32 $0x108;
	s8 =	sld [smem:$0x3FB6]  }
0x2e: {  	s3 =	simm.s32 @!p0 $0x1082;
	s9 =	sld [smem:$0x3FB7]  }
0x2f: {  	lr =	sadd.s32 s0, s3;
	s0 =	sld [smem:$0x3FAE]  }
0x30: {  	s3 =	sld [smem:$0x3FB1]  }
0x31: {  	[smem:$0x3FBA] =	sst s10  }
0x32: {  	s10 =	sld [smem:$0x3FB8];
	_ =	sdelay $0x3  }
0x33: {  	p0 =	seq.s32 s10, $0x1;
	s10 =	sld [smem:$0x3FBA];
	_ =	sdelay $0x3  }
0x34: {  	[smem:$0x3FBA] =	sst s10  }
0x35: {  	s10 =	sld [smem:$0x3FB9];
	_ =	sdelay $0x3  }
0x36: {  	p1 =	seq.s32 s10, $0x1;
	s10 =	sld [smem:$0x3FBA];
	_ =	sdelay $0x3  }
0x37: {  	[smem:$0x3FBA] =	sst s10  }
0x38: {  	s10 =	sld [smem:$0x3FBB]  }
0x39: {  	_ = 	snop;
	(pc) =	sbr.ind lr, $3  }
0x3a: {  	_ = 	snop  }
0x3b: {  	_ = 	snop  }
0x3c: {  	p2 =	seq.s32 s10, $0x1;
	s10 =	sld [smem:$0x3FBA]  }
0x3d: {  	_ =	shalt  }
0x3e: {  	_ =	shalt  }
0x3f: {  	_ =	shalt  }
0x40: {  	_ =	shalt  }
0x41: {  	_ =	shalt  }
0x42: {  	_ =	shalt  }
0x43: {  	_ =	shalt  }
0x44: {  	_ =	shalt  }
0x45: {  	_ =	shalt  }
0x46: {  	_ =	shalt  }
0x47: {  	_ =	shalt  }
0x48: {  	_ =	shalt  }
0x49: {  	_ =	shalt  }
0x4a: {  	_ =	shalt  }
0x4b: {  	_ =	shalt  }
0x4c: {  	_ =	shalt  }
0x4d: {  	_ =	shalt  }
0x4e: {  	_ =	shalt  }
0x4f: {  	_ =	shalt  }
0x50: {  	_ =	shalt  }
0x51: {  	_ =	shalt  }
0x52: {  	_ =	shalt  }
0x53: {  	_ =	shalt  }
0x54: {  	_ =	shalt  }
0x55: {  	_ =	shalt  }
0x56: {  	_ =	shalt  }
0x57: {  	_ =	shalt  }
0x58: {  	_ =	shalt  }
0x59: {  	_ =	shalt  }
0x5a: {  	_ =	shalt  }
0x5b: {  	_ =	shalt  }
0x5c: {  	_ =	shalt  }
0x5d: {  	_ =	shalt  }
0x5e: {  	_ =	shalt  }
0x5f: {  	_ =	shalt  }
0x60: {  	_ =	shalt  }
0x61: {  	_ =	shalt  }
0x62: {  	_ =	shalt  }
0x63: {  	_ =	shalt  }
0x64: {  	_ =	shalt  }
0x65: {  	_ =	shalt  }
0x66: {  	_ =	shalt  }
0x67: {  	_ =	shalt  }
0x68: {  	_ =	shalt  }
0x69: {  	_ =	shalt  }
0x6a: {  	_ =	shalt  }
0x6b: {  	_ =	shalt  }
0x6c: {  	_ =	shalt  }
0x6d: {  	_ =	shalt  }
0x6e: {  	_ =	shalt  }
0x6f: {  	_ =	shalt  }
0x70: {  	_ =	shalt  }
0x71: {  	_ =	shalt  }
0x72: {  	_ =	shalt  }
0x73: {  	_ =	shalt  }
0x74: {  	_ =	shalt  }
0x75: {  	_ =	shalt  }
0x76: {  	_ =	shalt  }
0x77: {  	_ =	shalt  }
0x78: {  	_ =	shalt  }
0x79: {  	_ =	shalt  }
0x7a: {  	_ =	shalt  }
0x7b: {  	_ =	shalt  }
0x7c: {  	_ =	shalt  }
0x7d: {  	_ =	shalt  }
0x7e: {  	_ =	shalt  }
0x7f: {  	_ =	shalt  }
0x80: {  	_ =	shalt  }
0x81: {  	_ =	shalt  }
0x82: {  	_ =	shalt  }
0x83: {  	_ =	shalt  }
0x84: {  	_ =	shalt  }
0x85: {  	_ =	shalt  }
0x86: {  	_ =	shalt  }
0x87: {  	_ =	shalt  }
.Lfunc_end0:
.L_simem_size_0:
called_computation.2_lowered:
.L_overlay_start_0:
0x88: {  	s2 =	sld [smem:$0x3FD9]  }
0x89: {  	s3 =	sld [smem:$0x3FFE];
	_ =	sdelay $0x1  }
0x8a: {  	s1 =	srdreg.scid  }
0x8b: {  	s0 =	sand.u32 $0x1, s1  }
0x8c: {  	s17 =	sshll.u32 s0, $0xA;
	s2 =	sadd.s32 s3, s2  }
0x8d: {  	s2 =	sadd.s32 s2, s17  }
0x8e: {  	[smem:$0x3FC6] =	sst s2  }
0x8f: {  	_ = 	snop  }
0x90: {  	(tm) =	ssettm $0x1  }
0x91: {  	s18 =	sld [smem:$0x3FFB];
	_ =	sdelay $0x3  }
0x92: {  	_ =	strace s18  }
0x93: {  	s2 =	sld [smem:$0x3FFC];
	_ =	sdelay $0x3  }
0x94: {  	_ =	strace s2  }
0x95: {  	s2 =	sld [smem:$0x3FFD];
	_ =	sdelay $0x3  }
0x96: {  	_ =	strace s2  }
0x97: {  	_ =	strace $0x8FFFFFFF  }
0x98: {  	s19 =	sld [smem:$0x3FDB];
	_ =	sdelay $0x1  }
0x99: {  	s20 =	simm.s32 $_scs_section_size  }
0x9a: {  	s4 =	simm.s32 $_size__tile_overlayer_lowered;
	s5 =	simm.s32 $_tile_overlayer_lowered  }
0x9b: {  	s6 =	simm.s32 $0x1BFF;
	s21 =	sshll.u32 s5, $0x1;
	s3 =	sadd.s32 s20, s19  }
0x9c: {  	s22 =	simm.s32 $0x0;
	s4 =	sshll.u32 s4, $0x1;
	s5 =	sadd.s32 s21, s3  }
0x9d: {  	[timem:s22], [sflag:s6] =	dma.local [hbm:s5], s4  }
0x9e: {  	_ =	swait.ge [sflag:s6], s4  }
0x9f: {  	s4 =	ssub.s32 $0x0, s4;
	[sflag:s6] =	ssyncset.done $0x0  }
0xa0: {  	[sflag:s6] =	ssyncadd.s32 s4;
	_ =	sdelay $0x1  }
0xa1: {  	s23 =	simm.s32 $0x1B8B  }
0xa2: {  	_ =	swait.ge [sflag:s23], $0x1  }
0xa3: {  	[sflag:s23] =	ssyncset.done $0x0  }
0xa4: {  	[sflag:s23] =	ssyncadd.s32 $0xFFFFFFFF  }
0xa5: {  	s4 =	sld [smem:$0x0]  }
0xa6: {  	s5 =	sand.u32 $0xFFFFFFFE, s1  }
0xa7: {  	p0 =	sne.s32 s1, s5  }
0xa8: {  	s5 =	sshll.u32 @p0 s5, $0xE  }
0xa9: {  	s5 =	sadd.s32 @p0 $0x11B8D, s5;
	s6 =	sshll.u32 @p0 s4, $0x11  }
0xaa: {  	s5 =	sor.u32 @p0 s6, s5  }
0xab: {  	[sflag:s5] =	ssyncadd.remote.s32 @p0 $0x1;
	_ =	sdelay $0x1  }
0xac: {  	s5 =	simm.s32 @p0 $0x1B8D  }
0xad: {  	_ =	swait.eq @p0 [sflag:s5], $0x1  }
0xae: {  	[sflag:s5] =	ssyncadd.s32 @p0 $0xFFFFFFFF  }
0xaf: {  	s6 =	sshll.u32 @!p0 s1, $0xE  }
0xb0: {  	s6 =	sor.u32 @!p0 $0x4000, s6;
	s5 =	simm.s32 @!p0 $0x1B8D  }
0xb1: {  	s4 =	sshll.u32 @!p0 s4, $0x11;
	s6 =	sadd.s32 @!p0 $0x11B8D, s6;
	_ =	swait.eq @!p0 [sflag:s5], $0x1  }
0xb2: {  	s4 =	sor.u32 @!p0 s4, s6;
	[sflag:s5] =	ssyncadd.s32 @!p0 $0xFFFFFFFF  }
0xb3: {  	s25 =	simm.s32 $0x1B8E;
	s24 =	sld [smem:$0x3FFE];
	[sflag:s4] =	ssyncadd.remote.s32 @!p0 $0x1  }
0xb4: {  	s26 =	simm.s32 $execute0_lowered;
	[smem:$0x3FD2] =	sst s25  }
0xb5: {  	s5 =	sshll.u32 s26, $0x1;
	_ =	strace $0x8000004C;
	[dreg:$0x1] =	wrdreg $0xFFFFFFFF  }
0xb6: {  	s28 =	simm.s32 $_size_execute0_lowered;
	s3 =	sadd.s32 s3, s5;
	[dreg:$0x0] =	wrdreg $0x0  }
0xb7: {  	s5 =	sshll.u32 s28, $0x1;
	[dreg:$0x2] =	wrdreg s3  }
0xb8: {  	[dreg:$0x3] =	wrdreg s5  }
0xb9: {  	[dreg:$0x4] =	wrdreg $0xC0  }
0xba: {  	_ =	task [dreg:s22], $0x5FFFF  }
0xbb: {  	[dreg:$0x1] =	wrdreg $0xFFFFFFFF  }
0xbc: {  	[dreg:$0x0] =	wrdreg $0x60  }
0xbd: {  	[dreg:$0x2] =	wrdreg s24  }
0xbe: {  	[dreg:$0x3] =	wrdreg $0xB  }
0xbf: {  	_ =	task.clear_ibuf [dreg:s22], $0x4FFFF;
	_ =	strace $0x9000004C  }
0xc0: {  	s29 =	simm.s32 $0xB;
	_ =	strace $0x8000004E  }
0xc1: {  	_ =	swait.ge [sflag:s29], $0x1  }
0xc2: {  	[sflag:s29] =	ssyncadd.s32 $0xFFFFFFFF  }
0xc3: {  	_ =	strace $0x9000004E  }
0xc4: {  	_ =	sfence  }
0xc5: {  	s30 =	sld [smem:$0x0];
	_ =	sdelay $0x2  }
0xc6: {  	s31 =	sshll.u32 s1, $0xD;
	s1 =	sshrl.u32 s1, $0x2  }
0xc7: {  	s4 =	sand.u32 $0x4000, s31;
	s1 =	sadd.s32 s1, s30  }
0xc8: {  	s0 =	sor.u32 s4, s0;
	s1 =	sshll.u32 s1, $0x11  }
0xc9: {  	s0 =	sor.u32 s1, s0  }
0xca: {  	s0 =	sadd.s32 $0x8F2B, s0  }
0xcb: {  	[sflag:s0] =	ssyncadd.remote.s32 $0x1  }
0xcc: {  	_ =	sfence.sel $0xFFFF  }
0xcd: {  	[dreg:$0x0] =	wrdreg $0xFFFFFFFF;
	(pc) =	sbr.abs _section_cstart, $3  }
0xce: {  	[dreg:$0x1] =	wrdreg $0xFFFFFFFF  }
0xcf: {  	_ =	task.clear_ibuf [dreg:s22], $0x2FFFF;
	_ =	strace $0x9FFFFFFF  }
0xd0: {  	(tm) =	ssettm $0x7FFFFFFF  }
0xd1: {  	_ =	shalt  }
tec
execute0_lowered:
.L_overlay_start_1:
0x0: {  	(tag) =	ssettag $0x1  }
0x1: {  	s1 =	srdreg.scid;
	s0 =	stileid.u32  }
0x2: {  	s3 =	sand.u32 $0x1, s1;
	s30 =	sshll.u32 s0, $0x1  }
0x3: {  	s4 =	rddreg [dreg:$0x0];
	s2 =	simm.s32 $0x0;
	s5 =	sor.u32 s3, s30  }
0x4: {  	s8 =	simm.s32 $0x5000;
	s9 =	simm.s32 $0x5A80;
	s6 =	smul.u32 $0xA00, s5  }
0x5: {  	s10 =	simm.s32 $0x0;
	[smem:$0x7FF] =	sst s2;
	s5 =	smul.u32 $0x140, s5  }
0x6: {  	v0 =	vlaneseq.u32;
	s1 =	rddreg [dreg:$0x1];
	_ =	strace $0x8000004D;
	s3 =	ssub.s32 $0x2, s3  }
0x7: {  	v4 =	vmul.u32 $0xFFFFFFFF, v0;
	s31 =	sshrl.u32 s3, $0x1;
	s6 =	sadd.s32 s6, s4;
	s5 =	sadd.s32 s5, s4  }
0x8: {  	vm0 =	vmmov $0xff;
	v1 =	vor.u32 $0x10, v0;
	s7 =	ssub.s32 s3, s31;
	s3 =	sadd.s32 $0x84A00, s6;
	s4 =	sadd.s32 $0x9B200, s5  }
0x9: {  	v2 =	vor.u32 $0x20, v0;
	v3 =	vor.u32 $0x30, v0;
	v4 =	vadd.s32 $0xF, v4;
	s5 =	sadd.s32 $0x98A00, s5;
	s6 =	smax.u32 s7, $0x1;
	s7 =	simm.s32 $0x1  }
.LBB2_1:
0xa: {  	[tilespmem:s2], [sflag:$0x1] =	stream.linear.gather [hbm4b:s3+s2], $0x5000, $0x38;
	[tilespmem:$0x6500] =	vst v63  }
0xb: {  	_ =	swait.ge [sflag:s7], $0x5000  }
0xc: {  	[sflag:s7] =	ssyncset.done $0x0  }
0xd: {  	s12 =	simm.s32 $0x20;
	[sflag:s7] =	ssyncadd.s32 $0xFFFFB000  }
0xe: {  	s13 =	simm.s32 $0x20;
	s11 =	simm.s32 $0x0;
	v5 =	vld [tilespmem:s12+$0x10]  }
.LBB2_2:
0xf: {  	p0 =	sne.s32 s13, $0x27E0;
	v6 =	vld [tilespmem:s12+$0xFFFFFFF0]  }
0x10: {  	v7 =	vld [tilespmem:s12+$0x0];
	_ =	sdelay $0x1  }
0x11: {  	v8 =	vld [tilespmem:s12+$0xFFFFFFE0]  }
0x12: {  	(xrf1) =	vsort.dscd.msk.f32 $0xffff, v5, v3  }
0x13: {  	(xrf1) =	vsort.dscd.msk.f32 $0xffff, v6, v1  }
0x14: {  	(xrf1) =	vsort.dscd.msk.f32 $0xffff, v7, v2;
	_ =	sdelay $0x1  }
0x15: {  	(xrf1) =	vsort.dscd.msk.f32 $0xffff, v8, v0;
	_ =	sdelay $0x9  }
0x16: {  	v5, v6, _ =	vpop (xrf1)  }
0x17: {  	v5 =	vperm.xlane v5, v4;
	v6 =	vperm.xlane v6, v4;
	v7, v8, _ =	vpop (xrf1)  }
0x18: {  	v7 =	vperm.xlane v7, v4;
	v9, v10, _ =	vpop (xrf1)  }
0x19: {  	v8 =	vperm.xlane v8, v4;
	v5 =	vsel vm0, v9, v5;
	v6 =	vsel vm0, v10, v6  }
0x1a: {  	v9, v10, _ =	vpop (xrf1);
	(xrf1) =	vsort.dscd.msk.f32 $0xffff, v5, v6  }
0x1b: {  	v5 =	vsel vm0, v9, v7;
	v6 =	vsel vm0, v10, v8  }
0x1c: {  	(xrf1) =	vsort.dscd.msk.f32 $0xffff, v5, v6;
	_ =	sdelay $0xb  }
0x1d: {  	v5, v6, _ =	vpop (xrf1)  }
0x1e: {  	v5 =	vperm.xlane v5, v4;
	v6 =	vperm.xlane v6, v4  }
0x1f: {  	v7, v8, _ =	vpop (xrf1)  }
0x20: {  	v5 =	vsel vm0, v7, v5;
	v6 =	vsel vm0, v8, v6  }
0x21: {  	(xrf1) =	vsort.dscd.msk.f32 $0xffff, v5, v6;
	_ =	sdelay $0xd  }
0x22: {  	s14 =	sshra.s32 s11, $0x2;
	s11 =	smov.u32 s13;
	v5, v6, _ =	vpop (xrf1)  }
0x23: {  	v7 =	vnsel vm0, $0x0, v5;
	[tilespmem:s14+$0x5A80] =	vst.msk $0xff, v6  }
0x24: {  	(xrf2) =	vadd.scan.msk.f32 $0xffff, v7;
	_ =	sdelay $0x9  }
0x25: {  	v6, _, _ =	vpop (xrf2)  }
0x26: {  	v6 =	vbroadcast v6, $0xF;
	_ =	sdelay $0x1  }
0x27: {  	(erf) = vrcp.f32 v6;
	_ =	sdelay $0x8  }
.Ltmp0:
0x28: {  	v6 =	vpop (erf);
	(pc) =	sbr.rel @p0 .LBB2_2-.Ltmp0, $3  }
0x29: {  	v5 =	vmul.f32 v6, v5;
	_ =	sdelay $0x1  }
0x2a: {  	s12 =	sadd.s32 $0x40, s12;
	[tilespmem:s14+$0x5000] =	vst.msk $0xff, v5  }
0x2b: {  	s13 =	sadd.s32 $0x20, s13;
	v5 =	vld [tilespmem:s12+$0x10]  }
0x2c: {  	v6 =	vld [tilespmem:s12+$0xFFFFFFF0]  }
0x2d: {  	v7 =	vld [tilespmem:s12+$0x0];
	_ =	sdelay $0x1  }
0x2e: {  	v8 =	vld [tilespmem:s12+$0xFFFFFFE0]  }
0x2f: {  	(xrf1) =	vsort.dscd.msk.f32 $0xffff, v5, v3  }
0x30: {  	(xrf1) =	vsort.dscd.msk.f32 $0xffff, v6, v1  }
0x31: {  	(xrf1) =	vsort.dscd.msk.f32 $0xffff, v7, v2;
	_ =	sdelay $0x1  }
0x32: {  	(xrf1) =	vsort.dscd.msk.f32 $0xffff, v8, v0;
	_ =	sdelay $0x9  }
0x33: {  	v5, v6, _ =	vpop (xrf1)  }
0x34: {  	v5 =	vperm.xlane v5, v4;
	v6 =	vperm.xlane v6, v4;
	v7, v60, _ =	vpop (xrf1)  }
0x35: {  	v7 =	vperm.xlane v7, v4;
	v9, v10, _ =	vpop (xrf1)  }
0x36: {  	v8 =	vperm.xlane v60, v4;
	v5 =	vsel vm0, v9, v5;
	v6 =	vsel vm0, v10, v6  }
0x37: {  	v61, v62, _ =	vpop (xrf1);
	(xrf1) =	vsort.dscd.msk.f32 $0xffff, v5, v6  }
0x38: {  	v5 =	vsel vm0, v61, v7;
	v6 =	vsel vm0, v62, v8  }
0x39: {  	(xrf1) =	vsort.dscd.msk.f32 $0xffff, v5, v6;
	_ =	sdelay $0xb  }
0x3a: {  	v5, v6, _ =	vpop (xrf1)  }
0x3b: {  	v5 =	vperm.xlane v5, v4;
	v6 =	vperm.xlane v6, v4  }
0x3c: {  	v7, v63, _ =	vpop (xrf1)  }
0x3d: {  	v5 =	vsel vm0, v7, v5;
	v6 =	vsel vm0, v63, v6  }
0x3e: {  	(xrf1) =	vsort.dscd.msk.f32 $0xffff, v5, v6;
	_ =	sdelay $0xd  }
0x3f: {  	v5, v6, _ =	vpop (xrf1)  }
0x40: {  	v7 =	vnsel vm0, $0x0, v5  }
0x41: {  	(xrf2) =	vadd.scan.msk.f32 $0xffff, v7;
	_ =	sdelay $0x9  }
0x42: {  	v7, _, _ =	vpop (xrf2)  }
0x43: {  	v7 =	vbroadcast v7, $0xF;
	_ =	sdelay $0x1  }
0x44: {  	(erf) = vrcp.f32 v7;
	_ =	sdelay $0x8  }
0x45: {  	v7 =	vpop (erf)  }
0x46: {  	s11 =	sshra.s32 s11, $0x2;
	v5 =	vmul.f32 v7, v5  }
0x47: {  	[tilespmem:s11+$0x5A80] =	vst.msk $0xff, v6  }
0x48: {  	[tilespmem:s11+$0x5000] =	vst.msk $0xff, v5  }
0x49: {  	[hbm4b:s4+s2] =	stream.linear.scatter [tilespmem:s8], [sflag:$0x1], $0xA00, $0x38;
	[tilespmem:$0x6500] =	vst v63  }
0x4a: {  	s10 =	sadd.s32 $0x1, s10;
	_ =	swait.ge [sflag:s7], $0xA00  }
0x4b: {  	p0 =	sne.s32 s10, s6;
	[sflag:s7] =	ssyncset.done $0x0  }
.Ltmp1:
0x4c: {  	[sflag:s7] =	ssyncadd.s32 $0xFFFFF600;
	(pc) =	sbr.rel @p0 .LBB2_1-.Ltmp1, $4  }
0x4d: {  	[hbm4b:s5+s2] =	stream.linear.scatter [tilespmem:s9], [sflag:$0x1], $0xA00, $0x38;
	[tilespmem:$0x6500] =	vst v63  }
0x4e: {  	_ =	swait.ge [sflag:s7], $0xA00  }
0x4f: {  	[sflag:s7] =	ssyncset.done $0x0  }
0x50: {  	[sflag:s7] =	ssyncadd.s32 $0xFFFFF600  }
0x51: {  	_ =	sfence.sel $0x180000  }
0x52: {  	[bflag:$0x0] =	sbarrier.arrive $0xFFFF  }
0x53: {  	p0 =	sne.s32 s0, $0x0;
	_ =	strace $0x9000004D  }
0x54: {  	s0 =	sadd.s32 @!p0 $0x100000, s1;
	[bflag:$0x2] =	sbarrier.arrive $0xFFFF  }
0x55: {  	[sflag:s0] =	ssyncadd.tile.s32 @!p0 $0x1;
	_ =	shalt  }
.Lfunc_end2:
_tile_overlayer_lowered:
.L_overlay_start_2:
0x56: {  	(tag) =	ssettag $0x2  }
0x57: {  	s0 =	rddreg [dreg:$0x0];
	s2 =	stileid.u32  }
0x58: {  	s1 =	rddreg [dreg:$0x1];
	p0 =	sne.s32 s2, $0x0  }
0x59: {  	s3 =	rddreg [dreg:$0x2];
	[bflag:$0x3] =	sbarrier.arrive $0xFFFF;
	s2 =	simm.s32 @!p0 $0x1C01  }
0x5a: {  	[timem:s3], [sflag:s2] =	dma.local @!p0 [hbm:s0], s1  }
0x5b: {  	s0 =	simm.s32 @!p0 $0x1  }
0x5c: {  	_ =	swait.ge @!p0 [sflag:s0], s1  }
0x5d: {  	s1 =	ssub.s32 @!p0 $0x0, s1;
	[sflag:s0] =	ssyncset.done @!p0 $0x0  }
0x5e: {  	[sflag:s0] =	ssyncadd.s32 @!p0 s1  }
0x5f: {  	[bflag:$0x3] =	sbarrier.arrive $0xFFFF  }
0x60: {  	_ =	shalt  }

// kernel: kernel.19.cloned.1.call-start
scs
__scs_entry_jumppad:
0x0: {  	(pc) =	sbr.rel $0x88, $3  }
0x1: {  	(tag) =	ssettag $0x0;
	lr =	simm.s32 $0x1  }
0x2: {  	[smem:$0x3F9F] =	sst lr;
	_ =	strace $0xD0000000  }
0x3: {  	_ = 	snop  }
0x4: {  	_ = 	snop  }
0x5: {  	_ = 	snop  }
0x6: {  	_ = 	snop  }
0x7: {  	_ = 	snop  }
__scs_overlays_trampoline_lowered:
0x8: {  	[smem:$0x3FAE] =	sst s0  }
0x9: {  	[smem:$0x3FAF] =	sst s1  }
0xa: {  	[smem:$0x3FB0] =	sst s2  }
0xb: {  	[smem:$0x3FB1] =	sst s3  }
0xc: {  	[smem:$0x3FB2] =	sst s4  }
0xd: {  	[smem:$0x3FB3] =	sst s5  }
0xe: {  	[smem:$0x3FB4] =	sst s6  }
0xf: {  	[smem:$0x3FB5] =	sst s7  }
0x10: {  	[smem:$0x3FB6] =	sst s8  }
0x11: {  	[smem:$0x3FB7] =	sst s9;
	s0 =	simm.s32 @!p0 $0x0  }
0x12: {  	s1 =	sld [smem:$0x3F9D];
	s0 =	simm.s32 @p0 $0x1  }
0x13: {  	[smem:$0x3FB8] =	sst s0;
	s0 =	simm.s32 @!p1 $0x0  }
0x14: {  	s2 =	sld [smem:$0x3F9C];
	s0 =	simm.s32 @p1 $0x1  }
0x15: {  	[smem:$0x3FB9] =	sst s0;
	s0 =	simm.s32 @!p2 $0x0  }
0x16: {  	s3 =	sld [smem:$0x3FDB];
	s0 =	simm.s32 @p2 $0x1  }
0x17: {  	s4 =	simm.s32 $0x1BF5;
	[smem:$0x3FBB] =	sst s0  }
0x18: {  	s0 =	sld [smem:$0x3F9E];
	_ =	swait.ge [sflag:s4], $0x0  }
0x19: {  	s7 =	sld [smem:$0x3F9F]  }
0x1a: {  	s8 =	sadd.s32 $0xFFFFE003, lr  }
0x1b: {  	s9 =	sadd.s32 $0xFFFFFEF7, lr;
	s5 =	simm.s32 $0xFFFFFFFF;
	p2 =	slt.u32 s8, $0xFFFFF086  }
0x1c: {  	p1 =	slt.u32 s9, $0xF7A;
	s5 =	simm.s32 @!p2 $0x0  }
0x1d: {  	s5 =	simm.s32 @p1 $0x1;
	p0 =	seq.s32 s7, s2  }
0x1e: {  	s7 =	smul.u32 @!p0 $0xF7A, s2;
	p2 =	seq.s32 @!p0 s5, $0x0  }
0x1f: {  	s9 =	smul.u32 $0xF7A, s1;
	s8 =	simm.s32 @!p0 $0x1BF5;
	p2 =	por !p2, p0  }
0x20: {  	[sflag:s8] =	ssyncset.s32 @!p0 $0xFFFFF086;
	s6 =	sadd.s32 @!p0 s3, s7;
	s7 =	simm.s32 @!p0 $0x108  }
0x21: {  	s3 =	sadd.s32 s3, s9;
	s6 =	sadd.s32 @!p0 $0x88, s6;
	s7 =	simm.s32 @p2 $0x1082  }
0x22: {  	[simem:s7], [sflag:s8] =	dma.local @!p0 [hbm:s6], $0xF7A  }
0x23: {  	s9 =	sor.u32 $0xD0000000, s2;
	s6 =	simm.s32 $0x108;
	_ =	swait.ge @!p0 [sflag:s8], $0x0  }
0x24: {  	s3 =	sadd.s32 $0x88, s3;
	s6 =	simm.s32 @!p1 $0x1082;
	[sflag:s4] =	ssyncset.s32 $0xFFFFF086  }
0x25: {  	[simem:s6], [sflag:s4] =	dma.local [hbm:s3], $0xF7A  }
0x26: {  	[smem:$0x3F9F] =	sst s1;
	(tag) =	ssettag s2;
	_ =	strace s9  }
0x27: {  	s1 =	sld [smem:$0x3FAF]  }
0x28: {  	s2 =	sld [smem:$0x3FB0]  }
0x29: {  	s4 =	sld [smem:$0x3FB2]  }
0x2a: {  	p0 =	seq.s32 s5, $0x0;
	s5 =	sld [smem:$0x3FB3]  }
0x2b: {  	s6 =	sld [smem:$0x3FB4]  }
0x2c: {  	s7 =	sld [smem:$0x3FB5]  }
0x2d: {  	s3 =	simm.s32 $0x108;
	s8 =	sld [smem:$0x3FB6]  }
0x2e: {  	s3 =	simm.s32 @!p0 $0x1082;
	s9 =	sld [smem:$0x3FB7]  }
0x2f: {  	lr =	sadd.s32 s0, s3;
	s0 =	sld [smem:$0x3FAE]  }
0x30: {  	s3 =	sld [smem:$0x3FB1]  }
0x31: {  	[smem:$0x3FBA] =	sst s10  }
0x32: {  	s10 =	sld [smem:$0x3FB8];
	_ =	sdelay $0x3  }
0x33: {  	p0 =	seq.s32 s10, $0x1;
	s10 =	sld [smem:$0x3FBA];
	_ =	sdelay $0x3  }
0x34: {  	[smem:$0x3FBA] =	sst s10  }
0x35: {  	s10 =	sld [smem:$0x3FB9];
	_ =	sdelay $0x3  }
0x36: {  	p1 =	seq.s32 s10, $0x1;
	s10 =	sld [smem:$0x3FBA];
	_ =	sdelay $0x3  }
0x37: {  	[smem:$0x3FBA] =	sst s10  }
0x38: {  	s10 =	sld [smem:$0x3FBB]  }
0x39: {  	_ = 	snop;
	(pc) =	sbr.ind lr, $3  }
0x3a: {  	_ = 	snop  }
0x3b: {  	_ = 	snop  }
0x3c: {  	p2 =	seq.s32 s10, $0x1;
	s10 =	sld [smem:$0x3FBA]  }
0x3d: {  	_ =	shalt  }
0x3e: {  	_ =	shalt  }
0x3f: {  	_ =	shalt  }
0x40: {  	_ =	shalt  }
0x41: {  	_ =	shalt  }
0x42: {  	_ =	shalt  }
0x43: {  	_ =	shalt  }
0x44: {  	_ =	shalt  }
0x45: {  	_ =	shalt  }
0x46: {  	_ =	shalt  }
0x47: {  	_ =	shalt  }
0x48: {  	_ =	shalt  }
0x49: {  	_ =	shalt  }
0x4a: {  	_ =	shalt  }
0x4b: {  	_ =	shalt  }
0x4c: {  	_ =	shalt  }
0x4d: {  	_ =	shalt  }
0x4e: {  	_ =	shalt  }
0x4f: {  	_ =	shalt  }
0x50: {  	_ =	shalt  }
0x51: {  	_ =	shalt  }
0x52: {  	_ =	shalt  }
0x53: {  	_ =	shalt  }
0x54: {  	_ =	shalt  }
0x55: {  	_ =	shalt  }
0x56: {  	_ =	shalt  }
0x57: {  	_ =	shalt  }
0x58: {  	_ =	shalt  }
0x59: {  	_ =	shalt  }
0x5a: {  	_ =	shalt  }
0x5b: {  	_ =	shalt  }
0x5c: {  	_ =	shalt  }
0x5d: {  	_ =	shalt  }
0x5e: {  	_ =	shalt  }
0x5f: {  	_ =	shalt  }
0x60: {  	_ =	shalt  }
0x61: {  	_ =	shalt  }
0x62: {  	_ =	shalt  }
0x63: {  	_ =	shalt  }
0x64: {  	_ =	shalt  }
0x65: {  	_ =	shalt  }
0x66: {  	_ =	shalt  }
0x67: {  	_ =	shalt  }
0x68: {  	_ =	shalt  }
0x69: {  	_ =	shalt  }
0x6a: {  	_ =	shalt  }
0x6b: {  	_ =	shalt  }
0x6c: {  	_ =	shalt  }
0x6d: {  	_ =	shalt  }
0x6e: {  	_ =	shalt  }
0x6f: {  	_ =	shalt  }
0x70: {  	_ =	shalt  }
0x71: {  	_ =	shalt  }
0x72: {  	_ =	shalt  }
0x73: {  	_ =	shalt  }
0x74: {  	_ =	shalt  }
0x75: {  	_ =	shalt  }
0x76: {  	_ =	shalt  }
0x77: {  	_ =	shalt  }
0x78: {  	_ =	shalt  }
0x79: {  	_ =	shalt  }
0x7a: {  	_ =	shalt  }
0x7b: {  	_ =	shalt  }
0x7c: {  	_ =	shalt  }
0x7d: {  	_ =	shalt  }
0x7e: {  	_ =	shalt  }
0x7f: {  	_ =	shalt  }
0x80: {  	_ =	shalt  }
0x81: {  	_ =	shalt  }
0x82: {  	_ =	shalt  }
0x83: {  	_ =	shalt  }
0x84: {  	_ =	shalt  }
0x85: {  	_ =	shalt  }
0x86: {  	_ =	shalt  }
0x87: {  	_ =	shalt  }
.Lfunc_end0:
.L_simem_size_0:
called_computation.3_lowered:
.L_overlay_start_0:
0x88: {  	s2 =	sld [smem:$0x3FD9]  }
0x89: {  	s3 =	sld [smem:$0x3FFE];
	_ =	sdelay $0x1  }
0x8a: {  	s1 =	srdreg.scid  }
0x8b: {  	s0 =	sand.u32 $0x1, s1  }
0x8c: {  	s17 =	sshll.u32 s0, $0xA;
	s2 =	sadd.s32 s3, s2  }
0x8d: {  	s2 =	sadd.s32 s2, s17  }
0x8e: {  	[smem:$0x3FC6] =	sst s2  }
0x8f: {  	_ = 	snop  }
0x90: {  	(tm) =	ssettm $0x1  }
0x91: {  	s18 =	sld [smem:$0x3FFB];
	_ =	sdelay $0x3  }
0x92: {  	_ =	strace s18  }
0x93: {  	s2 =	sld [smem:$0x3FFC];
	_ =	sdelay $0x3  }
0x94: {  	_ =	strace s2  }
0x95: {  	s2 =	sld [smem:$0x3FFD];
	_ =	sdelay $0x3  }
0x96: {  	_ =	strace s2  }
0x97: {  	_ =	strace $0x8FFFFFFF  }
0x98: {  	s19 =	sld [smem:$0x3FDB];
	_ =	sdelay $0x1  }
0x99: {  	s20 =	simm.s32 $_scs_section_size  }
0x9a: {  	s4 =	simm.s32 $_size__tile_overlayer_lowered;
	s5 =	simm.s32 $_tile_overlayer_lowered  }
0x9b: {  	s6 =	simm.s32 $0x1BFF;
	s21 =	sshll.u32 s5, $0x1;
	s3 =	sadd.s32 s20, s19  }
0x9c: {  	s22 =	simm.s32 $0x0;
	s4 =	sshll.u32 s4, $0x1;
	s5 =	sadd.s32 s21, s3  }
0x9d: {  	[timem:s22], [sflag:s6] =	dma.local [hbm:s5], s4  }
0x9e: {  	_ =	swait.ge [sflag:s6], s4  }
0x9f: {  	s4 =	ssub.s32 $0x0, s4;
	[sflag:s6] =	ssyncset.done $0x0  }
0xa0: {  	[sflag:s6] =	ssyncadd.s32 s4;
	_ =	sdelay $0x1  }
0xa1: {  	s23 =	simm.s32 $0x1B8B  }
0xa2: {  	_ =	swait.ge [sflag:s23], $0x1  }
0xa3: {  	[sflag:s23] =	ssyncset.done $0x0  }
0xa4: {  	[sflag:s23] =	ssyncadd.s32 $0xFFFFFFFF  }
0xa5: {  	s4 =	sld [smem:$0x0]  }
0xa6: {  	s5 =	sand.u32 $0xFFFFFFFE, s1  }
0xa7: {  	p0 =	sne.s32 s1, s5  }
0xa8: {  	s5 =	sshll.u32 @p0 s5, $0xE  }
0xa9: {  	s5 =	sadd.s32 @p0 $0x11B8D, s5;
	s6 =	sshll.u32 @p0 s4, $0x11  }
0xaa: {  	s5 =	sor.u32 @p0 s6, s5  }
0xab: {  	[sflag:s5] =	ssyncadd.remote.s32 @p0 $0x1;
	_ =	sdelay $0x1  }
0xac: {  	s5 =	simm.s32 @p0 $0x1B8D  }
0xad: {  	_ =	swait.eq @p0 [sflag:s5], $0x1  }
0xae: {  	[sflag:s5] =	ssyncadd.s32 @p0 $0xFFFFFFFF  }
0xaf: {  	s6 =	sshll.u32 @!p0 s1, $0xE  }
0xb0: {  	s6 =	sor.u32 @!p0 $0x4000, s6;
	s5 =	simm.s32 @!p0 $0x1B8D  }
0xb1: {  	s4 =	sshll.u32 @!p0 s4, $0x11;
	s6 =	sadd.s32 @!p0 $0x11B8D, s6;
	_ =	swait.eq @!p0 [sflag:s5], $0x1  }
0xb2: {  	s4 =	sor.u32 @!p0 s4, s6;
	[sflag:s5] =	ssyncadd.s32 @!p0 $0xFFFFFFFF  }
0xb3: {  	s25 =	simm.s32 $0x1B8E;
	s24 =	sld [smem:$0x3FFE];
	[sflag:s4] =	ssyncadd.remote.s32 @!p0 $0x1  }
0xb4: {  	s26 =	simm.s32 $execute0_lowered;
	[smem:$0x3FD2] =	sst s25  }
0xb5: {  	s5 =	sshll.u32 s26, $0x1;
	_ =	strace $0x8000004F;
	[dreg:$0x1] =	wrdreg $0xFFFFFFFF  }
0xb6: {  	s28 =	simm.s32 $_size_execute0_lowered;
	s3 =	sadd.s32 s3, s5;
	[dreg:$0x0] =	wrdreg $0x0  }
0xb7: {  	s5 =	sshll.u32 s28, $0x1;
	[dreg:$0x2] =	wrdreg s3  }
0xb8: {  	[dreg:$0x3] =	wrdreg s5  }
0xb9: {  	[dreg:$0x4] =	wrdreg $0xC0  }
0xba: {  	_ =	task [dreg:s22], $0x5FFFF  }
0xbb: {  	[dreg:$0x1] =	wrdreg $0xFFFFFFFF  }
0xbc: {  	[dreg:$0x0] =	wrdreg $0x60  }
0xbd: {  	[dreg:$0x2] =	wrdreg s24  }
0xbe: {  	[dreg:$0x3] =	wrdreg $0xC  }
0xbf: {  	_ =	task.clear_ibuf [dreg:s22], $0x4FFFF;
	_ =	strace $0x9000004F  }
0xc0: {  	s29 =	simm.s32 $0xC;
	_ =	strace $0x80000051  }
0xc1: {  	_ =	swait.ge [sflag:s29], $0x1  }
0xc2: {  	[sflag:s29] =	ssyncadd.s32 $0xFFFFFFFF  }
0xc3: {  	_ =	strace $0x90000051  }
0xc4: {  	_ =	sfence  }
0xc5: {  	s30 =	sld [smem:$0x0];
	_ =	sdelay $0x2  }
0xc6: {  	s31 =	sshll.u32 s1, $0xD;
	s1 =	sshrl.u32 s1, $0x2  }
0xc7: {  	s4 =	sand.u32 $0x4000, s31;
	s1 =	sadd.s32 s1, s30  }
0xc8: {  	s0 =	sor.u32 s4, s0;
	s1 =	sshll.u32 s1, $0x11  }
0xc9: {  	s0 =	sor.u32 s1, s0  }
0xca: {  	s0 =	sadd.s32 $0x8F2B, s0  }
0xcb: {  	[sflag:s0] =	ssyncadd.remote.s32 $0x1  }
0xcc: {  	_ =	sfence.sel $0xFFFF  }
0xcd: {  	[dreg:$0x0] =	wrdreg $0xFFFFFFFF;
	(pc) =	sbr.abs _section_cstart, $3  }
0xce: {  	[dreg:$0x1] =	wrdreg $0xFFFFFFFF  }
0xcf: {  	_ =	task.clear_ibuf [dreg:s22], $0x2FFFF;
	_ =	strace $0x9FFFFFFF  }
0xd0: {  	(tm) =	ssettm $0x7FFFFFFF  }
0xd1: {  	_ =	shalt  }
tec
execute0_lowered:
.L_overlay_start_1:
0x0: {  	(tag) =	ssettag $0x1  }
0x1: {  	s3 =	rddreg [dreg:$0x0]  }
0x2: {  	s0 =	rddreg [dreg:$0x1];
	s2 =	simm.s32 $0x0;
	s4 =	srdreg.scid  }
0x3: {  	s1 =	stileid.u32;
	s8 =	simm.s32 $0x800;
	s9 =	simm.s32 $0x980  }
0x4: {  	[smem:$0x7FF] =	sst s2;
	s4 =	sand.u32 $0x1, s4;
	s5 =	sshll.u32 s1, $0x1  }
0x5: {  	s10 =	simm.s32 $0x0;
	_ =	strace $0x80000050;
	s5 =	sor.u32 s4, s5  }
0x6: {  	v0 =	vlaneseq.u32;
	s4 =	ssub.s32 $0x2, s4;
	s6 =	sshll.u32 s5, $0x8;
	s5 =	sshll.u32 s5, $0x5  }
0x7: {  	v4 =	vmul.u32 $0xFFFFFFFF, v0;
	s31 =	sshrl.u32 s4, $0x1;
	s6 =	sadd.s32 s6, s3;
	s5 =	sadd.s32 s5, s3  }
0x8: {  	vm0 =	vmmov $0xff;
	v1 =	vor.u32 $0x10, v0;
	s7 =	ssub.s32 s4, s31;
	s3 =	sadd.s32 $0x9DA00, s6;
	s4 =	sadd.s32 $0x9FE00, s5  }
0x9: {  	v2 =	vor.u32 $0x20, v0;
	v3 =	vor.u32 $0x30, v0;
	v4 =	vadd.s32 $0xF, v4;
	s5 =	sadd.s32 $0x9FA00, s5;
	s6 =	smax.u32 s7, $0x1;
	s7 =	simm.s32 $0x1  }
.LBB2_1:
0xa: {  	[tilespmem:s2], [sflag:$0x1] =	stream.linear.gather [hbm4b:s3+s2], $0x800, $0x38;
	[tilespmem:$0xB00] =	vst v63  }
0xb: {  	_ =	swait.ge [sflag:s7], $0x800  }
0xc: {  	[sflag:s7] =	ssyncset.done $0x0  }
0xd: {  	s12 =	simm.s32 $0x20;
	[sflag:s7] =	ssyncadd.s32 $0xFFFFF800  }
0xe: {  	s13 =	simm.s32 $0x20;
	s11 =	simm.s32 $0x0;
	v5 =	vld [tilespmem:s12+$0x10]  }
.LBB2_2:
0xf: {  	p0 =	sne.s32 s13, $0x3E0;
	v6 =	vld [tilespmem:s12+$0xFFFFFFF0]  }
0x10: {  	v7 =	vld [tilespmem:s12+$0x0];
	_ =	sdelay $0x1  }
0x11: {  	v8 =	vld [tilespmem:s12+$0xFFFFFFE0]  }
0x12: {  	(xrf1) =	vsort.dscd.msk.f32 $0xffff, v5, v3  }
0x13: {  	(xrf1) =	vsort.dscd.msk.f32 $0xffff, v6, v1  }
0x14: {  	(xrf1) =	vsort.dscd.msk.f32 $0xffff, v7, v2;
	_ =	sdelay $0x1  }
0x15: {  	(xrf1) =	vsort.dscd.msk.f32 $0xffff, v8, v0;
	_ =	sdelay $0x9  }
0x16: {  	v5, v6, _ =	vpop (xrf1)  }
0x17: {  	v5 =	vperm.xlane v5, v4;
	v6 =	vperm.xlane v6, v4;
	v7, v8, _ =	vpop (xrf1)  }
0x18: {  	v7 =	vperm.xlane v7, v4;
	v9, v10, _ =	vpop (xrf1)  }
0x19: {  	v8 =	vperm.xlane v8, v4;
	v5 =	vsel vm0, v9, v5;
	v6 =	vsel vm0, v10, v6  }
0x1a: {  	v9, v10, _ =	vpop (xrf1);
	(xrf1) =	vsort.dscd.msk.f32 $0xffff, v5, v6  }
0x1b: {  	v5 =	vsel vm0, v9, v7;
	v6 =	vsel vm0, v10, v8  }
0x1c: {  	(xrf1) =	vsort.dscd.msk.f32 $0xffff, v5, v6;
	_ =	sdelay $0xb  }
0x1d: {  	v5, v6, _ =	vpop (xrf1)  }
0x1e: {  	v5 =	vperm.xlane v5, v4;
	v6 =	vperm.xlane v6, v4  }
0x1f: {  	v7, v8, _ =	vpop (xrf1)  }
0x20: {  	v5 =	vsel vm0, v7, v5;
	v6 =	vsel vm0, v8, v6  }
0x21: {  	(xrf1) =	vsort.dscd.msk.f32 $0xffff, v5, v6;
	_ =	sdelay $0xd  }
0x22: {  	s14 =	sshra.s32 s11, $0x2;
	s11 =	smov.u32 s13;
	v5, v6, _ =	vpop (xrf1)  }
0x23: {  	v7 =	vnsel vm0, $0x0, v5;
	[tilespmem:s14+$0x980] =	vst.msk $0xff, v6  }
0x24: {  	(xrf2) =	vadd.scan.msk.f32 $0xffff, v7;
	_ =	sdelay $0x9  }
0x25: {  	v6, _, _ =	vpop (xrf2)  }
0x26: {  	v6 =	vbroadcast v6, $0xF;
	_ =	sdelay $0x1  }
0x27: {  	(erf) = vrcp.f32 v6;
	_ =	sdelay $0x8  }
.Ltmp0:
0x28: {  	v6 =	vpop (erf);
	(pc) =	sbr.rel @p0 .LBB2_2-.Ltmp0, $3  }
0x29: {  	v5 =	vmul.f32 v6, v5;
	_ =	sdelay $0x1  }
0x2a: {  	s12 =	sadd.s32 $0x40, s12;
	[tilespmem:s14+$0x800] =	vst.msk $0xff, v5  }
0x2b: {  	s13 =	sadd.s32 $0x20, s13;
	v5 =	vld [tilespmem:s12+$0x10]  }
0x2c: {  	v6 =	vld [tilespmem:s12+$0xFFFFFFF0]  }
0x2d: {  	v7 =	vld [tilespmem:s12+$0x0];
	_ =	sdelay $0x1  }
0x2e: {  	v8 =	vld [tilespmem:s12+$0xFFFFFFE0]  }
0x2f: {  	(xrf1) =	vsort.dscd.msk.f32 $0xffff, v5, v3  }
0x30: {  	(xrf1) =	vsort.dscd.msk.f32 $0xffff, v6, v1  }
0x31: {  	(xrf1) =	vsort.dscd.msk.f32 $0xffff, v7, v2;
	_ =	sdelay $0x1  }
0x32: {  	(xrf1) =	vsort.dscd.msk.f32 $0xffff, v8, v0;
	_ =	sdelay $0x9  }
0x33: {  	v5, v6, _ =	vpop (xrf1)  }
0x34: {  	v5 =	vperm.xlane v5, v4;
	v6 =	vperm.xlane v6, v4;
	v7, v60, _ =	vpop (xrf1)  }
0x35: {  	v7 =	vperm.xlane v7, v4;
	v9, v10, _ =	vpop (xrf1)  }
0x36: {  	v8 =	vperm.xlane v60, v4;
	v5 =	vsel vm0, v9, v5;
	v6 =	vsel vm0, v10, v6  }
0x37: {  	v61, v62, _ =	vpop (xrf1);
	(xrf1) =	vsort.dscd.msk.f32 $0xffff, v5, v6  }
0x38: {  	v5 =	vsel vm0, v61, v7;
	v6 =	vsel vm0, v62, v8  }
0x39: {  	(xrf1) =	vsort.dscd.msk.f32 $0xffff, v5, v6;
	_ =	sdelay $0xb  }
0x3a: {  	v5, v6, _ =	vpop (xrf1)  }
0x3b: {  	v5 =	vperm.xlane v5, v4;
	v6 =	vperm.xlane v6, v4  }
0x3c: {  	v7, v63, _ =	vpop (xrf1)  }
0x3d: {  	v5 =	vsel vm0, v7, v5;
	v6 =	vsel vm0, v63, v6  }
0x3e: {  	(xrf1) =	vsort.dscd.msk.f32 $0xffff, v5, v6;
	_ =	sdelay $0xd  }
0x3f: {  	v5, v6, _ =	vpop (xrf1)  }
0x40: {  	v7 =	vnsel vm0, $0x0, v5  }
0x41: {  	(xrf2) =	vadd.scan.msk.f32 $0xffff, v7;
	_ =	sdelay $0x9  }
0x42: {  	v7, _, _ =	vpop (xrf2)  }
0x43: {  	v7 =	vbroadcast v7, $0xF;
	_ =	sdelay $0x1  }
0x44: {  	(erf) = vrcp.f32 v7;
	_ =	sdelay $0x8  }
0x45: {  	v7 =	vpop (erf)  }
0x46: {  	s11 =	sshra.s32 s11, $0x2;
	v5 =	vmul.f32 v7, v5  }
0x47: {  	[tilespmem:s11+$0x980] =	vst.msk $0xff, v6  }
0x48: {  	[tilespmem:s11+$0x800] =	vst.msk $0xff, v5  }
0x49: {  	[hbm4b:s4+s2] =	stream.linear.scatter [tilespmem:s8], [sflag:$0x1], $0x100, $0x38;
	[tilespmem:$0xB00] =	vst v63  }
0x4a: {  	s10 =	sadd.s32 $0x1, s10;
	_ =	swait.ge [sflag:s7], $0x100  }
0x4b: {  	p0 =	sne.s32 s10, s6;
	[sflag:s7] =	ssyncset.done $0x0  }
.Ltmp1:
0x4c: {  	[sflag:s7] =	ssyncadd.s32 $0xFFFFFF00;
	(pc) =	sbr.rel @p0 .LBB2_1-.Ltmp1, $4  }
0x4d: {  	[hbm4b:s5+s2] =	stream.linear.scatter [tilespmem:s9], [sflag:$0x1], $0x100, $0x38;
	[tilespmem:$0xB00] =	vst v63  }
0x4e: {  	_ =	swait.ge [sflag:s7], $0x100  }
0x4f: {  	[sflag:s7] =	ssyncset.done $0x0  }
0x50: {  	[sflag:s7] =	ssyncadd.s32 $0xFFFFFF00  }
0x51: {  	_ =	sfence.sel $0x180000  }
0x52: {  	[bflag:$0x0] =	sbarrier.arrive $0xFFFF  }
0x53: {  	p0 =	sne.s32 s1, $0x0;
	_ =	strace $0x90000050  }
0x54: {  	s0 =	sadd.s32 @!p0 $0x100000, s0;
	[bflag:$0x2] =	sbarrier.arrive $0xFFFF  }
0x55: {  	[sflag:s0] =	ssyncadd.tile.s32 @!p0 $0x1;
	_ =	shalt  }
.Lfunc_end2:
_tile_overlayer_lowered:
.L_overlay_start_2:
0x56: {  	(tag) =	ssettag $0x2  }
0x57: {  	s0 =	rddreg [dreg:$0x0];
	s2 =	stileid.u32  }
0x58: {  	s1 =	rddreg [dreg:$0x1];
	p0 =	sne.s32 s2, $0x0  }
0x59: {  	s3 =	rddreg [dreg:$0x2];
	[bflag:$0x3] =	sbarrier.arrive $0xFFFF;
	s2 =	simm.s32 @!p0 $0x1C01  }
0x5a: {  	[timem:s3], [sflag:s2] =	dma.local @!p0 [hbm:s0], s1  }
0x5b: {  	s0 =	simm.s32 @!p0 $0x1  }
0x5c: {  	_ =	swait.ge @!p0 [sflag:s0], s1  }
0x5d: {  	s1 =	ssub.s32 @!p0 $0x0, s1;
	[sflag:s0] =	ssyncset.done @!p0 $0x0  }
0x5e: {  	[sflag:s0] =	ssyncadd.s32 @!p0 s1  }
0x5f: {  	[bflag:$0x3] =	sbarrier.arrive $0xFFFF  }
0x60: {  	_ =	shalt  }

</sc_bundles>
